<compile_context>
chip_gen: v7x
topology: tpu7x:2x2x1
jax: 0.10.2.dev20260603
libtpu: 0.0.44.dev20260713+nightly
codegen_flags: <defaults>
</compile_context>

<pallas_src>
import functools

import jax
import jax.numpy as jnp
import numpy as np
from jax import lax
from jax.experimental import pallas as pl
from jax.experimental.pallas import tpu as pltpu
from jax.experimental.pallas import tpu_sc as plsc

_TOPK_RATIO = 0.1
_MININT = np.int32(-(2 ** 31))
_LANES = 16


def _fused_mm_kernel(x_ref, w1_ref, b1_ref, wa1_ref, ba1_ref, w2_ref, b2_ref,
                     wa2_ref, ba2_ref, seg_ref, attn_ref):
    x = x_ref[...]
    t1 = jax.lax.dot_general(x, w1_ref[...], (((1,), (1,)), ((), ())),
                             preferred_element_type=jnp.float32)
    h = jnp.maximum(t1 + b1_ref[...], 0.0)
    seg = jax.lax.dot_general(h, w2_ref[...], (((1,), (1,)), ((), ())),
                              preferred_element_type=jnp.float32) + b2_ref[...]
    seg_ref[...] = seg
    t2 = jax.lax.dot_general(x, wa1_ref[...], (((1,), (1,)), ((), ())),
                             preferred_element_type=jnp.float32)
    ha = jnp.tanh(t2 + ba1_ref[...])
    a = jax.lax.dot_general(ha, wa2_ref[...], (((1,), (1,)), ((), ())),
                            preferred_element_type=jnp.float32)
    attn_ref[...] = a[:, 0:1] + ba2_ref[0, 0]


def _cumsum_lanes(v):
    B, T = v.shape
    s = 1
    while s < T:
        v = v + jnp.concatenate(
            [jnp.zeros((B, s), v.dtype), v[:, :T - s]], axis=1)
        s *= 2
    return v


def _weights_kernel(attn_ref, w_ref, idx_ref, *, k, kpad):
    a = attn_ref[...]
    B, T = a.shape
    bits = jax.lax.bitcast_convert_type(a, jnp.int32)
    sk = jnp.where(bits < 0,
                   jnp.bitwise_xor(jnp.bitwise_not(bits), _MININT),
                   bits)

    def body(i, p):
        b = jnp.int32(31) - i
        cand = jnp.bitwise_or(p, jnp.left_shift(jnp.int32(1), b))
        icand = jnp.bitwise_xor(cand, _MININT)
        cnt = jnp.sum((sk >= icand).astype(jnp.int32), axis=1, keepdims=True)
        return jnp.where(cnt >= k, cand, p)

    p = jax.lax.fori_loop(0, 32, body, jnp.zeros((B, 1), jnp.int32))
    ithr = jnp.bitwise_xor(p, _MININT)

    gt = sk > ithr
    c_gt = jnp.sum(gt.astype(jnp.int32), axis=1, keepdims=True)
    eq = sk == ithr
    r = jnp.int32(k) - c_gt
    e = _cumsum_lanes(eq.astype(jnp.int32))
    sel = jnp.logical_or(gt, jnp.logical_and(eq, e <= r))
    mask = jnp.where(sel, jnp.float32(1.0 / k), jnp.float32(0.0))
    ssum = jnp.sum(mask, axis=1, keepdims=True)
    w_ref[...] = mask / (ssum + jnp.float32(1e-8))

    pos = _cumsum_lanes(sel.astype(jnp.int32)) - 1
    pos = jnp.where(sel, pos, jnp.int32(-1))
    t_iota = jax.lax.broadcasted_iota(jnp.int32, (1, T), 1)
    r_iota = jax.lax.broadcasted_iota(jnp.int32, (kpad, 1), 0)
    rows = []
    for b in range(B):
        onehot = (pos[b:b + 1] == r_iota)
        contrib = jnp.sum(jnp.where(onehot, t_iota, 0), axis=1)
        rows.append(contrib + jnp.int32(b * T))
    idx_ref[...] = jnp.stack(rows, axis=0)


def _make_sc_pool(B, T, C, k, kpad, ch):
    nch = kpad // ch
    csl = C // _LANES
    w0 = np.float32(np.float32(1.0 / k) /
                    (np.float32(k * np.float64(np.float32(1.0 / k)))
                     + np.float32(1e-8)))
    mesh = plsc.VectorSubcoreMesh(core_axis_name="c", subcore_axis_name="s")

    @functools.partial(
        pl.kernel, mesh=mesh,
        out_type=jax.ShapeDtypeStruct((B, C), jnp.float32),
        scratch_types=(
            [pltpu.VMEM((ch,), jnp.int32) for _ in range(nch)]
            + [pltpu.VMEM((kpad, C), jnp.float32),
               pltpu.VMEM((C,), jnp.float32)]
            + [pltpu.SemaphoreType.DMA for _ in range(nch)]
        ),
    )
    def sc_pool(idx_hbm, seg_hbm, clip_hbm, *refs):
        idxv = refs[:nch]
        rows, clipv = refs[nch], refs[nch + 1]
        sems = refs[nch + 2:nch + 2 + nch]
        wid = lax.axis_index("s") * 2 + lax.axis_index("c")

        @pl.when(wid < B)
        def _():
            base = wid * kpad
            for c in range(nch):
                pltpu.sync_copy(idx_hbm.at[pl.ds(base + c * ch, ch)], idxv[c])
            copies = [
                pltpu.async_copy(seg_hbm.at[idxv[c]],
                                 rows.at[pl.ds(c * ch, ch)], sems[c])
                for c in range(nch)
            ]

            unroll = 4

            def acc_range(accs, lo, hi):
                nfull = (hi - lo) // unroll

                def acc_body(j, accs):
                    base = lo + j * unroll
                    out = []
                    for s in range(csl):
                        v = accs[s]
                        for d in range(unroll):
                            v = v + rows[base + d, pl.ds(s * _LANES, _LANES)]
                        out.append(v)
                    return tuple(out)
                accs = lax.fori_loop(0, nfull, acc_body, accs)
                accs = list(accs)
                for j in range(lo + nfull * unroll, hi):
                    for s in range(csl):
                        accs[s] = accs[s] + rows[j, pl.ds(s * _LANES, _LANES)]
                return tuple(accs)

            accs = tuple(jnp.zeros((_LANES,), jnp.float32)
                         for _ in range(csl))
            done = 0
            for c in range(nch):
                copies[c].wait()
                hi = min(k, (c + 1) * ch)
                if hi > done:
                    accs = acc_range(accs, done, hi)
                    done = hi
            accs = list(accs)
            for s in range(csl):
                clipv[pl.ds(s * _LANES, _LANES)] = accs[s] * w0
            pltpu.sync_copy(clipv, clip_hbm.at[wid])

    return sc_pool


def kernel(x, W1, b1, W2, b2, Wa1, ba1, Wa2, ba2):
    B, T, D = x.shape
    HID = W1.shape[0]
    C = W2.shape[0]
    k = max(1, min(T, int(round(T * _TOPK_RATIO))))
    kpad = ((k + _LANES - 1) // _LANES) * _LANES
    ch = None
    for cand in range(min(128, kpad), 7, -1):
        if cand % 8 == 0 and kpad % cand == 0:
            ch = cand
            break
    M = B * T
    TM = 2048 if M % 2048 == 0 else T

    xf = x.reshape(M, D)
    b1r = b1.reshape(1, HID)
    ba1r = ba1.reshape(1, HID)
    b2r = b2.reshape(1, C)
    ba2r = ba2.reshape(1, 1)
    wa2p = jnp.zeros((128, HID), jnp.float32).at[0].set(Wa2[0])

    seg_flat, attn_flat = pl.pallas_call(
        _fused_mm_kernel,
        grid=(M // TM,),
        in_specs=[
            pl.BlockSpec((TM, D), lambda i: (i, 0)),
            pl.BlockSpec((HID, D), lambda i: (0, 0)),
            pl.BlockSpec((1, HID), lambda i: (0, 0)),
            pl.BlockSpec((HID, D), lambda i: (0, 0)),
            pl.BlockSpec((1, HID), lambda i: (0, 0)),
            pl.BlockSpec((C, HID), lambda i: (0, 0)),
            pl.BlockSpec((1, C), lambda i: (0, 0)),
            pl.BlockSpec((128, HID), lambda i: (0, 0)),
            pl.BlockSpec((1, 1), lambda i: (0, 0)),
        ],
        out_specs=[
            pl.BlockSpec((TM, C), lambda i: (i, 0)),
            pl.BlockSpec((TM, 1), lambda i: (i, 0)),
        ],
        out_shape=[
            jax.ShapeDtypeStruct((M, C), jnp.float32),
            jax.ShapeDtypeStruct((M, 1), jnp.float32),
        ],
    )(xf, W1, b1r, Wa1, ba1r, W2, b2r, wa2p, ba2r)

    seg_logits = seg_flat.reshape(B, T, C)
    attn = attn_flat.reshape(B, T)

    weights, idx = pl.pallas_call(
        functools.partial(_weights_kernel, k=k, kpad=kpad),
        grid=(1,),
        in_specs=[pl.BlockSpec((B, T), lambda i: (0, 0))],
        out_specs=[
            pl.BlockSpec((B, T), lambda i: (0, 0)),
            pl.BlockSpec((B, kpad), lambda i: (0, 0)),
        ],
        out_shape=[
            jax.ShapeDtypeStruct((B, T), jnp.float32),
            jax.ShapeDtypeStruct((B, kpad), jnp.int32),
        ],
    )(attn)

    if ch is None:
        def _pool_kernel(w_ref, seg_ref, clip_ref):
            clip_ref[0] = jax.lax.dot_general(
                w_ref[0], seg_ref[0], (((1,), (0,)), ((), ())),
                preferred_element_type=jnp.float32)
        clip_logits = pl.pallas_call(
            _pool_kernel,
            grid=(B,),
            in_specs=[
                pl.BlockSpec((1, 1, T), lambda b: (b, 0, 0)),
                pl.BlockSpec((1, T, C), lambda b: (b, 0, 0)),
            ],
            out_specs=[pl.BlockSpec((1, 1, C), lambda b: (b, 0, 0))],
            out_shape=[jax.ShapeDtypeStruct((B, 1, C), jnp.float32)],
        )(weights.reshape(B, 1, T), seg_logits)[0].reshape(B, C)
    else:
        sc_pool = _make_sc_pool(B, T, C, k, kpad, ch)
        clip_logits = sc_pool(idx.reshape(B * kpad), seg_flat)

    return clip_logits, seg_logits, weights

# --- scband reference (transcript-rebuilt; emitter-appended) ---
"""Pipeline reference for scband-enhanced-avtop-detector-9792525434992 (READ-ONLY COPY).

The authoritative reference and input builder live on the scoring server;
editing this copy changes nothing except your own understanding.
"""

import jax, jax.numpy as jnp
import numpy as np

B, T, D = 8, 2048, 1024
HID = 512
C = 256
TOPK_RATIO = 0.1


def setup_inputs(seed: int = 0) -> dict:
    key = jax.random.key(seed)
    ks = jax.random.split(key, 9)
    x = jax.random.normal(ks[0], (B, T, D), dtype=jnp.float32)
    s1 = 1.0 / np.sqrt(D)
    s2 = 1.0 / np.sqrt(HID)
    W1 = jax.random.uniform(ks[1], (HID, D), minval=-s1, maxval=s1, dtype=jnp.float32)
    b1 = jax.random.uniform(ks[2], (HID,), minval=-s1, maxval=s1, dtype=jnp.float32)
    W2 = jax.random.uniform(ks[3], (C, HID), minval=-s2, maxval=s2, dtype=jnp.float32)
    b2 = jax.random.uniform(ks[4], (C,), minval=-s2, maxval=s2, dtype=jnp.float32)
    Wa1 = jax.random.uniform(ks[5], (HID, D), minval=-s1, maxval=s1, dtype=jnp.float32)
    ba1 = jax.random.uniform(ks[6], (HID,), minval=-s1, maxval=s1, dtype=jnp.float32)
    Wa2 = jax.random.uniform(ks[7], (1, HID), minval=-s2, maxval=s2, dtype=jnp.float32)
    ba2 = jax.random.uniform(ks[8], (1,), minval=-s2, maxval=s2, dtype=jnp.float32)
    return {"x": x, "W1": W1, "b1": b1, "W2": W2, "b2": b2,
            "Wa1": Wa1, "ba1": ba1, "Wa2": Wa2, "ba2": ba2}


def reference(x, W1, b1, W2, b2, Wa1, ba1, Wa2, ba2):
    # frame_classifier: Linear -> ReLU -> Dropout(p=0, identity) -> Linear
    h = jax.nn.relu(jnp.einsum('btd,hd->bth', x, W1) + b1)
    seg_logits = jnp.einsum('bth,ch->btc', h, W2) + b2  # [B, T, C]
    # attention: Linear -> Tanh -> Linear(->1), squeeze
    ha = jnp.tanh(jnp.einsum('btd,hd->bth', x, Wa1) + ba1)
    attn_scores = (jnp.einsum('bth,oh->bto', ha, Wa2) + ba2)[..., 0]  # [B, T]
    # Top-K sparse mask (training branch, topk_ratio > 0)
    Tn = attn_scores.shape[1]
    k = max(1, min(Tn, int(round(Tn * TOPK_RATIO))))
    _, idx = jax.lax.top_k(attn_scores, k)  # [B, k]
    rows = jnp.arange(attn_scores.shape[0])[:, None]
    mask = jnp.zeros_like(attn_scores).at[rows, idx].set(1.0 / float(k))
    weights = jnp.clip(mask, 0.0, None)
    weights = weights / (jnp.sum(weights, axis=1, keepdims=True) + 1e-08)
    clip_logits = jnp.einsum('btc,bt->bc', seg_logits, weights)
    return clip_logits, seg_logits, weights

if __name__ == "__main__":
    import jax
    _d = setup_inputs()
    print(jax.jit(kernel)(*tuple(_d.values())))

</pallas_src>

<mosaic_0001>
#map = affine_map<(d0, d1) -> (0)>
#map1 = affine_map<(d0, d1) -> (0, 0)>
module attributes {stable_mosaic.version = 14 : i64} {
  func.func @sc_pool(%arg0: i32, %arg1: i32, %arg2: memref<1664xi32, #tpu.memory_space<hbm>>, %arg3: memref<16384x256xf32, #tpu.memory_space<hbm>>, %arg4: memref<8x256xf32, #tpu.memory_space<hbm>>, %arg5: memref<104xi32, #tpu.memory_space<vmem>>, %arg6: memref<104xi32, #tpu.memory_space<vmem>>, %arg7: memref<208x256xf32, #tpu.memory_space<vmem>>, %arg8: memref<256xf32, #tpu.memory_space<vmem>>, %arg9: memref<!tpu.dma_semaphore, #tpu.memory_space<semaphore_mem>>, %arg10: memref<!tpu.dma_semaphore, #tpu.memory_space<semaphore_mem>>) attributes {dimension_semantics = [#tpu.dimension_semantics<core_parallel>, #tpu.dimension_semantics<subcore_parallel>], iteration_bounds = array<i64: 2, 16>, scalar_prefetch = 0 : i64, scratch_operands = 6 : i64, tpu.core_type = #tpu.core_type<sc_vector_subcore>, window_params = [{transform_indices = #map}, {transform_indices = #map1}, {transform_indices = #map1}]} {
    %mul3A = arith.constant 2 : i32
    %mul3A_0 = arith.muli %arg1, %mul3A : i32
    %add3A = arith.addi %mul3A_0, %arg0 : i32
    %lt3A = arith.constant 8 : i32
    %lt3A_1 = arith.cmpi slt, %add3A, %lt3A : i32
    %convert_element_type3A = arith.extui %lt3A_1 : i1 to i32
    %cond3A = arith.constant 0 : i32
    %cond3A_2 = arith.cmpi ne, %convert_element_type3A, %cond3A : i32
    scf.if %cond3A_2 {
      %mul3A_3 = arith.constant 208 : i32
      %mul3A_4 = arith.muli %add3A, %mul3A_3 : i32
      %add3A_5 = arith.constant 0 : i32
      %add3A_6 = arith.addi %mul3A_4, %add3A_5 : i32
      "tpu.region"() ({
        %run_scoped3A = tpu.sem_alloc : memref<!tpu.dma_semaphore, #tpu.memory_space<semaphore_mem>>
        %dma_start3A_279 = tpu.memref_slice %arg2[%add3A_6] : memref<1664xi32, #tpu.memory_space<hbm>> -> memref<104xi32, #tpu.memory_space<hbm>>
        %dma_start3A_280 = tpu.memref_slice %arg2[%add3A_6] : memref<1664xi32, #tpu.memory_space<hbm>> -> memref<104xi32, #tpu.memory_space<hbm>>
        tpu.enqueue_dma source(%dma_start3A_280 : memref<104xi32, #tpu.memory_space<hbm>>) target(%arg5 : memref<104xi32, #tpu.memory_space<vmem>>) target_semaphore(%run_scoped3A : memref<!tpu.dma_semaphore, #tpu.memory_space<semaphore_mem>>)
        %dma_wait3A_281 = tpu.memref_slice %arg2[%add3A_6] : memref<1664xi32, #tpu.memory_space<hbm>> -> memref<104xi32, #tpu.memory_space<hbm>>
        %dma_wait3A_282 = tpu.memref_slice %arg2[%add3A_6] : memref<1664xi32, #tpu.memory_space<hbm>> -> memref<104xi32, #tpu.memory_space<hbm>>
        tpu.wait_dma2 semaphore(%run_scoped3A : memref<!tpu.dma_semaphore, #tpu.memory_space<semaphore_mem>>) src(%dma_wait3A_282 : memref<104xi32, #tpu.memory_space<hbm>>) dst(%arg5 : memref<104xi32, #tpu.memory_space<vmem>>)
        tpu.yield
      }) : () -> ()
      %add3A_7 = arith.constant 104 : i32
      %add3A_8 = arith.addi %mul3A_4, %add3A_7 : i32
      "tpu.region"() ({
        %run_scoped3A = tpu.sem_alloc : memref<!tpu.dma_semaphore, #tpu.memory_space<semaphore_mem>>
        %dma_start3A_279 = tpu.memref_slice %arg2[%add3A_8] : memref<1664xi32, #tpu.memory_space<hbm>> -> memref<104xi32, #tpu.memory_space<hbm>>
        %dma_start3A_280 = tpu.memref_slice %arg2[%add3A_8] : memref<1664xi32, #tpu.memory_space<hbm>> -> memref<104xi32, #tpu.memory_space<hbm>>
        tpu.enqueue_dma source(%dma_start3A_280 : memref<104xi32, #tpu.memory_space<hbm>>) target(%arg6 : memref<104xi32, #tpu.memory_space<vmem>>) target_semaphore(%run_scoped3A : memref<!tpu.dma_semaphore, #tpu.memory_space<semaphore_mem>>)
        %dma_wait3A_281 = tpu.memref_slice %arg2[%add3A_8] : memref<1664xi32, #tpu.memory_space<hbm>> -> memref<104xi32, #tpu.memory_space<hbm>>
        %dma_wait3A_282 = tpu.memref_slice %arg2[%add3A_8] : memref<1664xi32, #tpu.memory_space<hbm>> -> memref<104xi32, #tpu.memory_space<hbm>>
        tpu.wait_dma2 semaphore(%run_scoped3A : memref<!tpu.dma_semaphore, #tpu.memory_space<semaphore_mem>>) src(%dma_wait3A_282 : memref<104xi32, #tpu.memory_space<hbm>>) dst(%arg6 : memref<104xi32, #tpu.memory_space<vmem>>)
        tpu.yield
      }) : () -> ()
      %dma_start3A = arith.constant 0 : i32
      %dma_start3A_9 = arith.constant 0 : i32
      %dma_start3A_10 = tpu.memref_slice %arg7[%dma_start3A, %dma_start3A_9] : memref<208x256xf32, #tpu.memory_space<vmem>> -> memref<104x256xf32, #tpu.memory_space<vmem>>
      %dma_start3A_11 = arith.constant 0 : i32
      %dma_start3A_12 = arith.constant 0 : i32
      %dma_start3A_13 = tpu.memref_slice %arg3[%dma_start3A_11, %dma_start3A_12] : memref<16384x256xf32, #tpu.memory_space<hbm>> -> memref<16384x256xf32, #tpu.memory_space<hbm>>
      tpu.enqueue_indirect_dma source(%dma_start3A_13 : memref<16384x256xf32, #tpu.memory_space<hbm>>) target(%dma_start3A_10 : memref<104x256xf32, #tpu.memory_space<vmem>>) offsets(%arg5 : memref<104xi32, #tpu.memory_space<vmem>>) semaphore(%arg9 : memref<!tpu.dma_semaphore, #tpu.memory_space<semaphore_mem>>)
      %dma_start3A_14 = arith.constant 104 : i32
      %dma_start3A_15 = arith.constant 0 : i32
      %dma_start3A_16 = tpu.memref_slice %arg7[%dma_start3A_14, %dma_start3A_15] : memref<208x256xf32, #tpu.memory_space<vmem>> -> memref<104x256xf32, #tpu.memory_space<vmem>>
      %dma_start3A_17 = arith.constant 0 : i32
      %dma_start3A_18 = arith.constant 0 : i32
      %dma_start3A_19 = tpu.memref_slice %arg3[%dma_start3A_17, %dma_start3A_18] : memref<16384x256xf32, #tpu.memory_space<hbm>> -> memref<16384x256xf32, #tpu.memory_space<hbm>>
      tpu.enqueue_indirect_dma source(%dma_start3A_19 : memref<16384x256xf32, #tpu.memory_space<hbm>>) target(%dma_start3A_16 : memref<104x256xf32, #tpu.memory_space<vmem>>) offsets(%arg6 : memref<104xi32, #tpu.memory_space<vmem>>) semaphore(%arg10 : memref<!tpu.dma_semaphore, #tpu.memory_space<semaphore_mem>>)
      %broadcast_in_dim3A = arith.constant 0.000000e+00 : f32
      %broadcast_in_dim3A_20 = vector.broadcast %broadcast_in_dim3A : f32 to vector<16xf32>
      %broadcast_in_dim3A_21 = arith.constant 0.000000e+00 : f32
      %broadcast_in_dim3A_22 = vector.broadcast %broadcast_in_dim3A_21 : f32 to vector<16xf32>
      %broadcast_in_dim3A_23 = arith.constant 0.000000e+00 : f32
      %broadcast_in_dim3A_24 = vector.broadcast %broadcast_in_dim3A_23 : f32 to vector<16xf32>
      %broadcast_in_dim3A_25 = arith.constant 0.000000e+00 : f32
      %broadcast_in_dim3A_26 = vector.broadcast %broadcast_in_dim3A_25 : f32 to vector<16xf32>
      %broadcast_in_dim3A_27 = arith.constant 0.000000e+00 : f32
      %broadcast_in_dim3A_28 = vector.broadcast %broadcast_in_dim3A_27 : f32 to vector<16xf32>
      %broadcast_in_dim3A_29 = arith.constant 0.000000e+00 : f32
      %broadcast_in_dim3A_30 = vector.broadcast %broadcast_in_dim3A_29 : f32 to vector<16xf32>
      %broadcast_in_dim3A_31 = arith.constant 0.000000e+00 : f32
      %broadcast_in_dim3A_32 = vector.broadcast %broadcast_in_dim3A_31 : f32 to vector<16xf32>
      %broadcast_in_dim3A_33 = arith.constant 0.000000e+00 : f32
      %broadcast_in_dim3A_34 = vector.broadcast %broadcast_in_dim3A_33 : f32 to vector<16xf32>
      %broadcast_in_dim3A_35 = arith.constant 0.000000e+00 : f32
      %broadcast_in_dim3A_36 = vector.broadcast %broadcast_in_dim3A_35 : f32 to vector<16xf32>
      %broadcast_in_dim3A_37 = arith.constant 0.000000e+00 : f32
      %broadcast_in_dim3A_38 = vector.broadcast %broadcast_in_dim3A_37 : f32 to vector<16xf32>
      %broadcast_in_dim3A_39 = arith.constant 0.000000e+00 : f32
      %broadcast_in_dim3A_40 = vector.broadcast %broadcast_in_dim3A_39 : f32 to vector<16xf32>
      %broadcast_in_dim3A_41 = arith.constant 0.000000e+00 : f32
      %broadcast_in_dim3A_42 = vector.broadcast %broadcast_in_dim3A_41 : f32 to vector<16xf32>
      %broadcast_in_dim3A_43 = arith.constant 0.000000e+00 : f32
      %broadcast_in_dim3A_44 = vector.broadcast %broadcast_in_dim3A_43 : f32 to vector<16xf32>
      %broadcast_in_dim3A_45 = arith.constant 0.000000e+00 : f32
      %broadcast_in_dim3A_46 = vector.broadcast %broadcast_in_dim3A_45 : f32 to vector<16xf32>
      %broadcast_in_dim3A_47 = arith.constant 0.000000e+00 : f32
      %broadcast_in_dim3A_48 = vector.broadcast %broadcast_in_dim3A_47 : f32 to vector<16xf32>
      %broadcast_in_dim3A_49 = arith.constant 0.000000e+00 : f32
      %broadcast_in_dim3A_50 = vector.broadcast %broadcast_in_dim3A_49 : f32 to vector<16xf32>
      %dma_wait3A = arith.constant 0 : i32
      %dma_wait3A_51 = arith.constant 0 : i32
      %dma_wait3A_52 = tpu.memref_slice %arg7[%dma_wait3A, %dma_wait3A_51] : memref<208x256xf32, #tpu.memory_space<vmem>> -> memref<104x256xf32, #tpu.memory_space<vmem>>
      %dma_wait3A_53 = arith.constant 0 : i32
      %dma_wait3A_54 = arith.constant 0 : i32
      %dma_wait3A_55 = tpu.memref_slice %arg3[%dma_wait3A_53, %dma_wait3A_54] : memref<16384x256xf32, #tpu.memory_space<hbm>> -> memref<16384x256xf32, #tpu.memory_space<hbm>>
      tpu.wait_indirect_dma semaphore(%arg9 : memref<!tpu.dma_semaphore, #tpu.memory_space<semaphore_mem>>) src(%dma_wait3A_55 : memref<16384x256xf32, #tpu.memory_space<hbm>>) dst(%dma_wait3A_52 : memref<104x256xf32, #tpu.memory_space<vmem>>)
      %scan3A = arith.constant 0 : i32
      %scan3A_56 = arith.constant 26 : i32
      %scan3A_57 = arith.addi %scan3A, %scan3A_56 : i32
      %scan3A_58 = arith.constant 1 : i32
      %scan3A_59:16 = scf.for %scan3A_279 = %scan3A to %scan3A_57 step %scan3A_58 iter_args(%scan3A_280 = %broadcast_in_dim3A_20, %scan3A_281 = %broadcast_in_dim3A_22, %scan3A_282 = %broadcast_in_dim3A_24, %scan3A_283 = %broadcast_in_dim3A_26, %scan3A_284 = %broadcast_in_dim3A_28, %scan3A_285 = %broadcast_in_dim3A_30, %scan3A_286 = %broadcast_in_dim3A_32, %scan3A_287 = %broadcast_in_dim3A_34, %scan3A_288 = %broadcast_in_dim3A_36, %scan3A_289 = %broadcast_in_dim3A_38, %scan3A_290 = %broadcast_in_dim3A_40, %scan3A_291 = %broadcast_in_dim3A_42, %scan3A_292 = %broadcast_in_dim3A_44, %scan3A_293 = %broadcast_in_dim3A_46, %scan3A_294 = %broadcast_in_dim3A_48, %scan3A_295 = %broadcast_in_dim3A_50) -> (vector<16xf32>, vector<16xf32>, vector<16xf32>, vector<16xf32>, vector<16xf32>, vector<16xf32>, vector<16xf32>, vector<16xf32>, vector<16xf32>, vector<16xf32>, vector<16xf32>, vector<16xf32>, vector<16xf32>, vector<16xf32>, vector<16xf32>, vector<16xf32>)  : i32 {
        %mul3A_296 = arith.constant 4 : i32
        %mul3A_297 = arith.muli %scan3A_279, %mul3A_296 : i32
        %add3A_298 = arith.constant 0 : i32
        %add3A_299 = arith.addi %add3A_298, %mul3A_297 : i32
        %add3A_300 = arith.constant 0 : i32
        %add3A_301 = arith.addi %add3A_299, %add3A_300 : i32
        %get3A_302 = arith.index_cast %add3A_301 : i32 to index
        %get3A_303 = arith.constant 0 : index
        %get3A_304 = tpu.vector_load %arg7[%get3A_302, %get3A_303] {strides = array<i32>} : memref<208x256xf32, #tpu.memory_space<vmem>>, vector<1x16xf32>,
        %get3A_305 = vector.shape_cast %get3A_304 : vector<1x16xf32> to vector<16xf32>
        %add3A_306 = arith.addf %scan3A_280, %get3A_305 : vector<16xf32>
        %add3A_307 = arith.constant 1 : i32
        %add3A_308 = arith.addi %add3A_299, %add3A_307 : i32
        %get3A_309 = arith.index_cast %add3A_308 : i32 to index
        %get3A_310 = arith.constant 0 : index
        %get3A_311 = tpu.vector_load %arg7[%get3A_309, %get3A_310] {strides = array<i32>} : memref<208x256xf32, #tpu.memory_space<vmem>>, vector<1x16xf32>,
        %get3A_312 = vector.shape_cast %get3A_311 : vector<1x16xf32> to vector<16xf32>
        %add3A_313 = arith.addf %add3A_306, %get3A_312 : vector<16xf32>
        %add3A_314 = arith.constant 2 : i32
        %add3A_315 = arith.addi %add3A_299, %add3A_314 : i32
        %get3A_316 = arith.index_cast %add3A_315 : i32 to index
        %get3A_317 = arith.constant 0 : index
        %get3A_318 = tpu.vector_load %arg7[%get3A_316, %get3A_317] {strides = array<i32>} : memref<208x256xf32, #tpu.memory_space<vmem>>, vector<1x16xf32>,
        %get3A_319 = vector.shape_cast %get3A_318 : vector<1x16xf32> to vector<16xf32>
        %add3A_320 = arith.addf %add3A_313, %get3A_319 : vector<16xf32>
        %add3A_321 = arith.constant 3 : i32
        %add3A_322 = arith.addi %add3A_299, %add3A_321 : i32
        %get3A_323 = arith.index_cast %add3A_322 : i32 to index
        %get3A_324 = arith.constant 0 : index
        %get3A_325 = tpu.vector_load %arg7[%get3A_323, %get3A_324] {strides = array<i32>} : memref<208x256xf32, #tpu.memory_space<vmem>>, vector<1x16xf32>,
        %get3A_326 = vector.shape_cast %get3A_325 : vector<1x16xf32> to vector<16xf32>
        %add3A_327 = arith.addf %add3A_320, %get3A_326 : vector<16xf32>
        %add3A_328 = arith.constant 0 : i32
        %add3A_329 = arith.addi %add3A_299, %add3A_328 : i32
        %get3A_330 = arith.index_cast %add3A_329 : i32 to index
        %get3A_331 = arith.constant 16 : index
        %get3A_332 = tpu.vector_load %arg7[%get3A_330, %get3A_331] {strides = array<i32>} : memref<208x256xf32, #tpu.memory_space<vmem>>, vector<1x16xf32>,
        %get3A_333 = vector.shape_cast %get3A_332 : vector<1x16xf32> to vector<16xf32>
        %add3A_334 = arith.addf %scan3A_281, %get3A_333 : vector<16xf32>
        %add3A_335 = arith.constant 1 : i32
        %add3A_336 = arith.addi %add3A_299, %add3A_335 : i32
        %get3A_337 = arith.index_cast %add3A_336 : i32 to index
        %get3A_338 = arith.constant 16 : index
        %get3A_339 = tpu.vector_load %arg7[%get3A_337, %get3A_338] {strides = array<i32>} : memref<208x256xf32, #tpu.memory_space<vmem>>, vector<1x16xf32>,
        %get3A_340 = vector.shape_cast %get3A_339 : vector<1x16xf32> to vector<16xf32>
        %add3A_341 = arith.addf %add3A_334, %get3A_340 : vector<16xf32>
        %add3A_342 = arith.constant 2 : i32
        %add3A_343 = arith.addi %add3A_299, %add3A_342 : i32
        %get3A_344 = arith.index_cast %add3A_343 : i32 to index
        %get3A_345 = arith.constant 16 : index
        %get3A_346 = tpu.vector_load %arg7[%get3A_344, %get3A_345] {strides = array<i32>} : memref<208x256xf32, #tpu.memory_space<vmem>>, vector<1x16xf32>,
        %get3A_347 = vector.shape_cast %get3A_346 : vector<1x16xf32> to vector<16xf32>
        %add3A_348 = arith.addf %add3A_341, %get3A_347 : vector<16xf32>
        %add3A_349 = arith.constant 3 : i32
        %add3A_350 = arith.addi %add3A_299, %add3A_349 : i32
        %get3A_351 = arith.index_cast %add3A_350 : i32 to index
        %get3A_352 = arith.constant 16 : index
        %get3A_353 = tpu.vector_load %arg7[%get3A_351, %get3A_352] {strides = array<i32>} : memref<208x256xf32, #tpu.memory_space<vmem>>, vector<1x16xf32>,
        %get3A_354 = vector.shape_cast %get3A_353 : vector<1x16xf32> to vector<16xf32>
        %add3A_355 = arith.addf %add3A_348, %get3A_354 : vector<16xf32>
        %add3A_356 = arith.constant 0 : i32
        %add3A_357 = arith.addi %add3A_299, %add3A_356 : i32
        %get3A_358 = arith.index_cast %add3A_357 : i32 to index
        %get3A_359 = arith.constant 32 : index
        %get3A_360 = tpu.vector_load %arg7[%get3A_358, %get3A_359] {strides = array<i32>} : memref<208x256xf32, #tpu.memory_space<vmem>>, vector<1x16xf32>,
        %get3A_361 = vector.shape_cast %get3A_360 : vector<1x16xf32> to vector<16xf32>
        %add3A_362 = arith.addf %scan3A_282, %get3A_361 : vector<16xf32>
        %add3A_363 = arith.constant 1 : i32
        %add3A_364 = arith.addi %add3A_299, %add3A_363 : i32
        %get3A_365 = arith.index_cast %add3A_364 : i32 to index
        %get3A_366 = arith.constant 32 : index
        %get3A_367 = tpu.vector_load %arg7[%get3A_365, %get3A_366] {strides = array<i32>} : memref<208x256xf32, #tpu.memory_space<vmem>>, vector<1x16xf32>,
        %get3A_368 = vector.shape_cast %get3A_367 : vector<1x16xf32> to vector<16xf32>
        %add3A_369 = arith.addf %add3A_362, %get3A_368 : vector<16xf32>
        %add3A_370 = arith.constant 2 : i32
        %add3A_371 = arith.addi %add3A_299, %add3A_370 : i32
        %get3A_372 = arith.index_cast %add3A_371 : i32 to index
        %get3A_373 = arith.constant 32 : index
        %get3A_374 = tpu.vector_load %arg7[%get3A_372, %get3A_373] {strides = array<i32>} : memref<208x256xf32, #tpu.memory_space<vmem>>, vector<1x16xf32>,
        %get3A_375 = vector.shape_cast %get3A_374 : vector<1x16xf32> to vector<16xf32>
        %add3A_376 = arith.addf %add3A_369, %get3A_375 : vector<16xf32>
        %add3A_377 = arith.constant 3 : i32
        %add3A_378 = arith.addi %add3A_299, %add3A_377 : i32
        %get3A_379 = arith.index_cast %add3A_378 : i32 to index
        %get3A_380 = arith.constant 32 : index
        %get3A_381 = tpu.vector_load %arg7[%get3A_379, %get3A_380] {strides = array<i32>} : memref<208x256xf32, #tpu.memory_space<vmem>>, vector<1x16xf32>,
        %get3A_382 = vector.shape_cast %get3A_381 : vector<1x16xf32> to vector<16xf32>
        %add3A_383 = arith.addf %add3A_376, %get3A_382 : vector<16xf32>
        %add3A_384 = arith.constant 0 : i32
        %add3A_385 = arith.addi %add3A_299, %add3A_384 : i32
        %get3A_386 = arith.index_cast %add3A_385 : i32 to index
        %get3A_387 = arith.constant 48 : index
        %get3A_388 = tpu.vector_load %arg7[%get3A_386, %get3A_387] {strides = array<i32>} : memref<208x256xf32, #tpu.memory_space<vmem>>, vector<1x16xf32>,
        %get3A_389 = vector.shape_cast %get3A_388 : vector<1x16xf32> to vector<16xf32>
        %add3A_390 = arith.addf %scan3A_283, %get3A_389 : vector<16xf32>
        %add3A_391 = arith.constant 1 : i32
        %add3A_392 = arith.addi %add3A_299, %add3A_391 : i32
        %get3A_393 = arith.index_cast %add3A_392 : i32 to index
        %get3A_394 = arith.constant 48 : index
        %get3A_395 = tpu.vector_load %arg7[%get3A_393, %get3A_394] {strides = array<i32>} : memref<208x256xf32, #tpu.memory_space<vmem>>, vector<1x16xf32>,
        %get3A_396 = vector.shape_cast %get3A_395 : vector<1x16xf32> to vector<16xf32>
        %add3A_397 = arith.addf %add3A_390, %get3A_396 : vector<16xf32>
        %add3A_398 = arith.constant 2 : i32
        %add3A_399 = arith.addi %add3A_299, %add3A_398 : i32
        %get3A_400 = arith.index_cast %add3A_399 : i32 to index
        %get3A_401 = arith.constant 48 : index
        %get3A_402 = tpu.vector_load %arg7[%get3A_400, %get3A_401] {strides = array<i32>} : memref<208x256xf32, #tpu.memory_space<vmem>>, vector<1x16xf32>,
        %get3A_403 = vector.shape_cast %get3A_402 : vector<1x16xf32> to vector<16xf32>
        %add3A_404 = arith.addf %add3A_397, %get3A_403 : vector<16xf32>
        %add3A_405 = arith.constant 3 : i32
        %add3A_406 = arith.addi %add3A_299, %add3A_405 : i32
        %get3A_407 = arith.index_cast %add3A_406 : i32 to index
        %get3A_408 = arith.constant 48 : index
        %get3A_409 = tpu.vector_load %arg7[%get3A_407, %get3A_408] {strides = array<i32>} : memref<208x256xf32, #tpu.memory_space<vmem>>, vector<1x16xf32>,
        %get3A_410 = vector.shape_cast %get3A_409 : vector<1x16xf32> to vector<16xf32>
        %add3A_411 = arith.addf %add3A_404, %get3A_410 : vector<16xf32>
        %add3A_412 = arith.constant 0 : i32
        %add3A_413 = arith.addi %add3A_299, %add3A_412 : i32
        %get3A_414 = arith.index_cast %add3A_413 : i32 to index
        %get3A_415 = arith.constant 64 : index
        %get3A_416 = tpu.vector_load %arg7[%get3A_414, %get3A_415] {strides = array<i32>} : memref<208x256xf32, #tpu.memory_space<vmem>>, vector<1x16xf32>,
        %get3A_417 = vector.shape_cast %get3A_416 : vector<1x16xf32> to vector<16xf32>
        %add3A_418 = arith.addf %scan3A_284, %get3A_417 : vector<16xf32>
        %add3A_419 = arith.constant 1 : i32
        %add3A_420 = arith.addi %add3A_299, %add3A_419 : i32
        %get3A_421 = arith.index_cast %add3A_420 : i32 to index
        %get3A_422 = arith.constant 64 : index
        %get3A_423 = tpu.vector_load %arg7[%get3A_421, %get3A_422] {strides = array<i32>} : memref<208x256xf32, #tpu.memory_space<vmem>>, vector<1x16xf32>,
        %get3A_424 = vector.shape_cast %get3A_423 : vector<1x16xf32> to vector<16xf32>
        %add3A_425 = arith.addf %add3A_418, %get3A_424 : vector<16xf32>
        %add3A_426 = arith.constant 2 : i32
        %add3A_427 = arith.addi %add3A_299, %add3A_426 : i32
        %get3A_428 = arith.index_cast %add3A_427 : i32 to index
        %get3A_429 = arith.constant 64 : index
        %get3A_430 = tpu.vector_load %arg7[%get3A_428, %get3A_429] {strides = array<i32>} : memref<208x256xf32, #tpu.memory_space<vmem>>, vector<1x16xf32>,
        %get3A_431 = vector.shape_cast %get3A_430 : vector<1x16xf32> to vector<16xf32>
        %add3A_432 = arith.addf %add3A_425, %get3A_431 : vector<16xf32>
        %add3A_433 = arith.constant 3 : i32
        %add3A_434 = arith.addi %add3A_299, %add3A_433 : i32
        %get3A_435 = arith.index_cast %add3A_434 : i32 to index
        %get3A_436 = arith.constant 64 : index
        %get3A_437 = tpu.vector_load %arg7[%get3A_435, %get3A_436] {strides = array<i32>} : memref<208x256xf32, #tpu.memory_space<vmem>>, vector<1x16xf32>,
        %get3A_438 = vector.shape_cast %get3A_437 : vector<1x16xf32> to vector<16xf32>
        %add3A_439 = arith.addf %add3A_432, %get3A_438 : vector<16xf32>
        %add3A_440 = arith.constant 0 : i32
        %add3A_441 = arith.addi %add3A_299, %add3A_440 : i32
        %get3A_442 = arith.index_cast %add3A_441 : i32 to index
        %get3A_443 = arith.constant 80 : index
        %get3A_444 = tpu.vector_load %arg7[%get3A_442, %get3A_443] {strides = array<i32>} : memref<208x256xf32, #tpu.memory_space<vmem>>, vector<1x16xf32>,
        %get3A_445 = vector.shape_cast %get3A_444 : vector<1x16xf32> to vector<16xf32>
        %add3A_446 = arith.addf %scan3A_285, %get3A_445 : vector<16xf32>
        %add3A_447 = arith.constant 1 : i32
        %add3A_448 = arith.addi %add3A_299, %add3A_447 : i32
        %get3A_449 = arith.index_cast %add3A_448 : i32 to index
        %get3A_450 = arith.constant 80 : index
        %get3A_451 = tpu.vector_load %arg7[%get3A_449, %get3A_450] {strides = array<i32>} : memref<208x256xf32, #tpu.memory_space<vmem>>, vector<1x16xf32>,
        %get3A_452 = vector.shape_cast %get3A_451 : vector<1x16xf32> to vector<16xf32>
        %add3A_453 = arith.addf %add3A_446, %get3A_452 : vector<16xf32>
        %add3A_454 = arith.constant 2 : i32
        %add3A_455 = arith.addi %add3A_299, %add3A_454 : i32
        %get3A_456 = arith.index_cast %add3A_455 : i32 to index
        %get3A_457 = arith.constant 80 : index
        %get3A_458 = tpu.vector_load %arg7[%get3A_456, %get3A_457] {strides = array<i32>} : memref<208x256xf32, #tpu.memory_space<vmem>>, vector<1x16xf32>,
        %get3A_459 = vector.shape_cast %get3A_458 : vector<1x16xf32> to vector<16xf32>
        %add3A_460 = arith.addf %add3A_453, %get3A_459 : vector<16xf32>
        %add3A_461 = arith.constant 3 : i32
        %add3A_462 = arith.addi %add3A_299, %add3A_461 : i32
        %get3A_463 = arith.index_cast %add3A_462 : i32 to index
        %get3A_464 = arith.constant 80 : index
        %get3A_465 = tpu.vector_load %arg7[%get3A_463, %get3A_464] {strides = array<i32>} : memref<208x256xf32, #tpu.memory_space<vmem>>, vector<1x16xf32>,
        %get3A_466 = vector.shape_cast %get3A_465 : vector<1x16xf32> to vector<16xf32>
        %add3A_467 = arith.addf %add3A_460, %get3A_466 : vector<16xf32>
        %add3A_468 = arith.constant 0 : i32
        %add3A_469 = arith.addi %add3A_299, %add3A_468 : i32
        %get3A_470 = arith.index_cast %add3A_469 : i32 to index
        %get3A_471 = arith.constant 96 : index
        %get3A_472 = tpu.vector_load %arg7[%get3A_470, %get3A_471] {strides = array<i32>} : memref<208x256xf32, #tpu.memory_space<vmem>>, vector<1x16xf32>,
        %get3A_473 = vector.shape_cast %get3A_472 : vector<1x16xf32> to vector<16xf32>
        %add3A_474 = arith.addf %scan3A_286, %get3A_473 : vector<16xf32>
        %add3A_475 = arith.constant 1 : i32
        %add3A_476 = arith.addi %add3A_299, %add3A_475 : i32
        %get3A_477 = arith.index_cast %add3A_476 : i32 to index
        %get3A_478 = arith.constant 96 : index
        %get3A_479 = tpu.vector_load %arg7[%get3A_477, %get3A_478] {strides = array<i32>} : memref<208x256xf32, #tpu.memory_space<vmem>>, vector<1x16xf32>,
        %get3A_480 = vector.shape_cast %get3A_479 : vector<1x16xf32> to vector<16xf32>
        %add3A_481 = arith.addf %add3A_474, %get3A_480 : vector<16xf32>
        %add3A_482 = arith.constant 2 : i32
        %add3A_483 = arith.addi %add3A_299, %add3A_482 : i32
        %get3A_484 = arith.index_cast %add3A_483 : i32 to index
        %get3A_485 = arith.constant 96 : index
        %get3A_486 = tpu.vector_load %arg7[%get3A_484, %get3A_485] {strides = array<i32>} : memref<208x256xf32, #tpu.memory_space<vmem>>, vector<1x16xf32>,
        %get3A_487 = vector.shape_cast %get3A_486 : vector<1x16xf32> to vector<16xf32>
        %add3A_488 = arith.addf %add3A_481, %get3A_487 : vector<16xf32>
        %add3A_489 = arith.constant 3 : i32
        %add3A_490 = arith.addi %add3A_299, %add3A_489 : i32
        %get3A_491 = arith.index_cast %add3A_490 : i32 to index
        %get3A_492 = arith.constant 96 : index
        %get3A_493 = tpu.vector_load %arg7[%get3A_491, %get3A_492] {strides = array<i32>} : memref<208x256xf32, #tpu.memory_space<vmem>>, vector<1x16xf32>,
        %get3A_494 = vector.shape_cast %get3A_493 : vector<1x16xf32> to vector<16xf32>
        %add3A_495 = arith.addf %add3A_488, %get3A_494 : vector<16xf32>
        %add3A_496 = arith.constant 0 : i32
        %add3A_497 = arith.addi %add3A_299, %add3A_496 : i32
        %get3A_498 = arith.index_cast %add3A_497 : i32 to index
        %get3A_499 = arith.constant 112 : index
        %get3A_500 = tpu.vector_load %arg7[%get3A_498, %get3A_499] {strides = array<i32>} : memref<208x256xf32, #tpu.memory_space<vmem>>, vector<1x16xf32>,
        %get3A_501 = vector.shape_cast %get3A_500 : vector<1x16xf32> to vector<16xf32>
        %add3A_502 = arith.addf %scan3A_287, %get3A_501 : vector<16xf32>
        %add3A_503 = arith.constant 1 : i32
        %add3A_504 = arith.addi %add3A_299, %add3A_503 : i32
        %get3A_505 = arith.index_cast %add3A_504 : i32 to index
        %get3A_506 = arith.constant 112 : index
        %get3A_507 = tpu.vector_load %arg7[%get3A_505, %get3A_506] {strides = array<i32>} : memref<208x256xf32, #tpu.memory_space<vmem>>, vector<1x16xf32>,
        %get3A_508 = vector.shape_cast %get3A_507 : vector<1x16xf32> to vector<16xf32>
        %add3A_509 = arith.addf %add3A_502, %get3A_508 : vector<16xf32>
        %add3A_510 = arith.constant 2 : i32
        %add3A_511 = arith.addi %add3A_299, %add3A_510 : i32
        %get3A_512 = arith.index_cast %add3A_511 : i32 to index
        %get3A_513 = arith.constant 112 : index
        %get3A_514 = tpu.vector_load %arg7[%get3A_512, %get3A_513] {strides = array<i32>} : memref<208x256xf32, #tpu.memory_space<vmem>>, vector<1x16xf32>,
        %get3A_515 = vector.shape_cast %get3A_514 : vector<1x16xf32> to vector<16xf32>
        %add3A_516 = arith.addf %add3A_509, %get3A_515 : vector<16xf32>
        %add3A_517 = arith.constant 3 : i32
        %add3A_518 = arith.addi %add3A_299, %add3A_517 : i32
        %get3A_519 = arith.index_cast %add3A_518 : i32 to index
        %get3A_520 = arith.constant 112 : index
        %get3A_521 = tpu.vector_load %arg7[%get3A_519, %get3A_520] {strides = array<i32>} : memref<208x256xf32, #tpu.memory_space<vmem>>, vector<1x16xf32>,
        %get3A_522 = vector.shape_cast %get3A_521 : vector<1x16xf32> to vector<16xf32>
        %add3A_523 = arith.addf %add3A_516, %get3A_522 : vector<16xf32>
        %add3A_524 = arith.constant 0 : i32
        %add3A_525 = arith.addi %add3A_299, %add3A_524 : i32
        %get3A_526 = arith.index_cast %add3A_525 : i32 to index
        %get3A_527 = arith.constant 128 : index
        %get3A_528 = tpu.vector_load %arg7[%get3A_526, %get3A_527] {strides = array<i32>} : memref<208x256xf32, #tpu.memory_space<vmem>>, vector<1x16xf32>,
        %get3A_529 = vector.shape_cast %get3A_528 : vector<1x16xf32> to vector<16xf32>
        %add3A_530 = arith.addf %scan3A_288, %get3A_529 : vector<16xf32>
        %add3A_531 = arith.constant 1 : i32
        %add3A_532 = arith.addi %add3A_299, %add3A_531 : i32
        %get3A_533 = arith.index_cast %add3A_532 : i32 to index
        %get3A_534 = arith.constant 128 : index
        %get3A_535 = tpu.vector_load %arg7[%get3A_533, %get3A_534] {strides = array<i32>} : memref<208x256xf32, #tpu.memory_space<vmem>>, vector<1x16xf32>,
        %get3A_536 = vector.shape_cast %get3A_535 : vector<1x16xf32> to vector<16xf32>
        %add3A_537 = arith.addf %add3A_530, %get3A_536 : vector<16xf32>
        %add3A_538 = arith.constant 2 : i32
        %add3A_539 = arith.addi %add3A_299, %add3A_538 : i32
        %get3A_540 = arith.index_cast %add3A_539 : i32 to index
        %get3A_541 = arith.constant 128 : index
        %get3A_542 = tpu.vector_load %arg7[%get3A_540, %get3A_541] {strides = array<i32>} : memref<208x256xf32, #tpu.memory_space<vmem>>, vector<1x16xf32>,
        %get3A_543 = vector.shape_cast %get3A_542 : vector<1x16xf32> to vector<16xf32>
        %add3A_544 = arith.addf %add3A_537, %get3A_543 : vector<16xf32>
        %add3A_545 = arith.constant 3 : i32
        %add3A_546 = arith.addi %add3A_299, %add3A_545 : i32
        %get3A_547 = arith.index_cast %add3A_546 : i32 to index
        %get3A_548 = arith.constant 128 : index
        %get3A_549 = tpu.vector_load %arg7[%get3A_547, %get3A_548] {strides = array<i32>} : memref<208x256xf32, #tpu.memory_space<vmem>>, vector<1x16xf32>,
        %get3A_550 = vector.shape_cast %get3A_549 : vector<1x16xf32> to vector<16xf32>
        %add3A_551 = arith.addf %add3A_544, %get3A_550 : vector<16xf32>
        %add3A_552 = arith.constant 0 : i32
        %add3A_553 = arith.addi %add3A_299, %add3A_552 : i32
        %get3A_554 = arith.index_cast %add3A_553 : i32 to index
        %get3A_555 = arith.constant 144 : index
        %get3A_556 = tpu.vector_load %arg7[%get3A_554, %get3A_555] {strides = array<i32>} : memref<208x256xf32, #tpu.memory_space<vmem>>, vector<1x16xf32>,
        %get3A_557 = vector.shape_cast %get3A_556 : vector<1x16xf32> to vector<16xf32>
        %add3A_558 = arith.addf %scan3A_289, %get3A_557 : vector<16xf32>
        %add3A_559 = arith.constant 1 : i32
        %add3A_560 = arith.addi %add3A_299, %add3A_559 : i32
        %get3A_561 = arith.index_cast %add3A_560 : i32 to index
        %get3A_562 = arith.constant 144 : index
        %get3A_563 = tpu.vector_load %arg7[%get3A_561, %get3A_562] {strides = array<i32>} : memref<208x256xf32, #tpu.memory_space<vmem>>, vector<1x16xf32>,
        %get3A_564 = vector.shape_cast %get3A_563 : vector<1x16xf32> to vector<16xf32>
        %add3A_565 = arith.addf %add3A_558, %get3A_564 : vector<16xf32>
        %add3A_566 = arith.constant 2 : i32
        %add3A_567 = arith.addi %add3A_299, %add3A_566 : i32
        %get3A_568 = arith.index_cast %add3A_567 : i32 to index
        %get3A_569 = arith.constant 144 : index
        %get3A_570 = tpu.vector_load %arg7[%get3A_568, %get3A_569] {strides = array<i32>} : memref<208x256xf32, #tpu.memory_space<vmem>>, vector<1x16xf32>,
        %get3A_571 = vector.shape_cast %get3A_570 : vector<1x16xf32> to vector<16xf32>
        %add3A_572 = arith.addf %add3A_565, %get3A_571 : vector<16xf32>
        %add3A_573 = arith.constant 3 : i32
        %add3A_574 = arith.addi %add3A_299, %add3A_573 : i32
        %get3A_575 = arith.index_cast %add3A_574 : i32 to index
        %get3A_576 = arith.constant 144 : index
        %get3A_577 = tpu.vector_load %arg7[%get3A_575, %get3A_576] {strides = array<i32>} : memref<208x256xf32, #tpu.memory_space<vmem>>, vector<1x16xf32>,
        %get3A_578 = vector.shape_cast %get3A_577 : vector<1x16xf32> to vector<16xf32>
        %add3A_579 = arith.addf %add3A_572, %get3A_578 : vector<16xf32>
        %add3A_580 = arith.constant 0 : i32
        %add3A_581 = arith.addi %add3A_299, %add3A_580 : i32
        %get3A_582 = arith.index_cast %add3A_581 : i32 to index
        %get3A_583 = arith.constant 160 : index
        %get3A_584 = tpu.vector_load %arg7[%get3A_582, %get3A_583] {strides = array<i32>} : memref<208x256xf32, #tpu.memory_space<vmem>>, vector<1x16xf32>,
        %get3A_585 = vector.shape_cast %get3A_584 : vector<1x16xf32> to vector<16xf32>
        %add3A_586 = arith.addf %scan3A_290, %get3A_585 : vector<16xf32>
        %add3A_587 = arith.constant 1 : i32
        %add3A_588 = arith.addi %add3A_299, %add3A_587 : i32
        %get3A_589 = arith.index_cast %add3A_588 : i32 to index
        %get3A_590 = arith.constant 160 : index
        %get3A_591 = tpu.vector_load %arg7[%get3A_589, %get3A_590] {strides = array<i32>} : memref<208x256xf32, #tpu.memory_space<vmem>>, vector<1x16xf32>,
        %get3A_592 = vector.shape_cast %get3A_591 : vector<1x16xf32> to vector<16xf32>
        %add3A_593 = arith.addf %add3A_586, %get3A_592 : vector<16xf32>
        %add3A_594 = arith.constant 2 : i32
        %add3A_595 = arith.addi %add3A_299, %add3A_594 : i32
        %get3A_596 = arith.index_cast %add3A_595 : i32 to index
        %get3A_597 = arith.constant 160 : index
        %get3A_598 = tpu.vector_load %arg7[%get3A_596, %get3A_597] {strides = array<i32>} : memref<208x256xf32, #tpu.memory_space<vmem>>, vector<1x16xf32>,
        %get3A_599 = vector.shape_cast %get3A_598 : vector<1x16xf32> to vector<16xf32>
        %add3A_600 = arith.addf %add3A_593, %get3A_599 : vector<16xf32>
        %add3A_601 = arith.constant 3 : i32
        %add3A_602 = arith.addi %add3A_299, %add3A_601 : i32
        %get3A_603 = arith.index_cast %add3A_602 : i32 to index
        %get3A_604 = arith.constant 160 : index
        %get3A_605 = tpu.vector_load %arg7[%get3A_603, %get3A_604] {strides = array<i32>} : memref<208x256xf32, #tpu.memory_space<vmem>>, vector<1x16xf32>,
        %get3A_606 = vector.shape_cast %get3A_605 : vector<1x16xf32> to vector<16xf32>
        %add3A_607 = arith.addf %add3A_600, %get3A_606 : vector<16xf32>
        %add3A_608 = arith.constant 0 : i32
        %add3A_609 = arith.addi %add3A_299, %add3A_608 : i32
        %get3A_610 = arith.index_cast %add3A_609 : i32 to index
        %get3A_611 = arith.constant 176 : index
        %get3A_612 = tpu.vector_load %arg7[%get3A_610, %get3A_611] {strides = array<i32>} : memref<208x256xf32, #tpu.memory_space<vmem>>, vector<1x16xf32>,
        %get3A_613 = vector.shape_cast %get3A_612 : vector<1x16xf32> to vector<16xf32>
        %add3A_614 = arith.addf %scan3A_291, %get3A_613 : vector<16xf32>
        %add3A_615 = arith.constant 1 : i32
        %add3A_616 = arith.addi %add3A_299, %add3A_615 : i32
        %get3A_617 = arith.index_cast %add3A_616 : i32 to index
        %get3A_618 = arith.constant 176 : index
        %get3A_619 = tpu.vector_load %arg7[%get3A_617, %get3A_618] {strides = array<i32>} : memref<208x256xf32, #tpu.memory_space<vmem>>, vector<1x16xf32>,
        %get3A_620 = vector.shape_cast %get3A_619 : vector<1x16xf32> to vector<16xf32>
        %add3A_621 = arith.addf %add3A_614, %get3A_620 : vector<16xf32>
        %add3A_622 = arith.constant 2 : i32
        %add3A_623 = arith.addi %add3A_299, %add3A_622 : i32
        %get3A_624 = arith.index_cast %add3A_623 : i32 to index
        %get3A_625 = arith.constant 176 : index
        %get3A_626 = tpu.vector_load %arg7[%get3A_624, %get3A_625] {strides = array<i32>} : memref<208x256xf32, #tpu.memory_space<vmem>>, vector<1x16xf32>,
        %get3A_627 = vector.shape_cast %get3A_626 : vector<1x16xf32> to vector<16xf32>
        %add3A_628 = arith.addf %add3A_621, %get3A_627 : vector<16xf32>
        %add3A_629 = arith.constant 3 : i32
        %add3A_630 = arith.addi %add3A_299, %add3A_629 : i32
        %get3A_631 = arith.index_cast %add3A_630 : i32 to index
        %get3A_632 = arith.constant 176 : index
        %get3A_633 = tpu.vector_load %arg7[%get3A_631, %get3A_632] {strides = array<i32>} : memref<208x256xf32, #tpu.memory_space<vmem>>, vector<1x16xf32>,
        %get3A_634 = vector.shape_cast %get3A_633 : vector<1x16xf32> to vector<16xf32>
        %add3A_635 = arith.addf %add3A_628, %get3A_634 : vector<16xf32>
        %add3A_636 = arith.constant 0 : i32
        %add3A_637 = arith.addi %add3A_299, %add3A_636 : i32
        %get3A_638 = arith.index_cast %add3A_637 : i32 to index
        %get3A_639 = arith.constant 192 : index
        %get3A_640 = tpu.vector_load %arg7[%get3A_638, %get3A_639] {strides = array<i32>} : memref<208x256xf32, #tpu.memory_space<vmem>>, vector<1x16xf32>,
        %get3A_641 = vector.shape_cast %get3A_640 : vector<1x16xf32> to vector<16xf32>
        %add3A_642 = arith.addf %scan3A_292, %get3A_641 : vector<16xf32>
        %add3A_643 = arith.constant 1 : i32
        %add3A_644 = arith.addi %add3A_299, %add3A_643 : i32
        %get3A_645 = arith.index_cast %add3A_644 : i32 to index
        %get3A_646 = arith.constant 192 : index
        %get3A_647 = tpu.vector_load %arg7[%get3A_645, %get3A_646] {strides = array<i32>} : memref<208x256xf32, #tpu.memory_space<vmem>>, vector<1x16xf32>,
        %get3A_648 = vector.shape_cast %get3A_647 : vector<1x16xf32> to vector<16xf32>
        %add3A_649 = arith.addf %add3A_642, %get3A_648 : vector<16xf32>
        %add3A_650 = arith.constant 2 : i32
        %add3A_651 = arith.addi %add3A_299, %add3A_650 : i32
        %get3A_652 = arith.index_cast %add3A_651 : i32 to index
        %get3A_653 = arith.constant 192 : index
        %get3A_654 = tpu.vector_load %arg7[%get3A_652, %get3A_653] {strides = array<i32>} : memref<208x256xf32, #tpu.memory_space<vmem>>, vector<1x16xf32>,
        %get3A_655 = vector.shape_cast %get3A_654 : vector<1x16xf32> to vector<16xf32>
        %add3A_656 = arith.addf %add3A_649, %get3A_655 : vector<16xf32>
        %add3A_657 = arith.constant 3 : i32
        %add3A_658 = arith.addi %add3A_299, %add3A_657 : i32
        %get3A_659 = arith.index_cast %add3A_658 : i32 to index
        %get3A_660 = arith.constant 192 : index
        %get3A_661 = tpu.vector_load %arg7[%get3A_659, %get3A_660] {strides = array<i32>} : memref<208x256xf32, #tpu.memory_space<vmem>>, vector<1x16xf32>,
        %get3A_662 = vector.shape_cast %get3A_661 : vector<1x16xf32> to vector<16xf32>
        %add3A_663 = arith.addf %add3A_656, %get3A_662 : vector<16xf32>
        %add3A_664 = arith.constant 0 : i32
        %add3A_665 = arith.addi %add3A_299, %add3A_664 : i32
        %get3A_666 = arith.index_cast %add3A_665 : i32 to index
        %get3A_667 = arith.constant 208 : index
        %get3A_668 = tpu.vector_load %arg7[%get3A_666, %get3A_667] {strides = array<i32>} : memref<208x256xf32, #tpu.memory_space<vmem>>, vector<1x16xf32>,
        %get3A_669 = vector.shape_cast %get3A_668 : vector<1x16xf32> to vector<16xf32>
        %add3A_670 = arith.addf %scan3A_293, %get3A_669 : vector<16xf32>
        %add3A_671 = arith.constant 1 : i32
        %add3A_672 = arith.addi %add3A_299, %add3A_671 : i32
        %get3A_673 = arith.index_cast %add3A_672 : i32 to index
        %get3A_674 = arith.constant 208 : index
        %get3A_675 = tpu.vector_load %arg7[%get3A_673, %get3A_674] {strides = array<i32>} : memref<208x256xf32, #tpu.memory_space<vmem>>, vector<1x16xf32>,
        %get3A_676 = vector.shape_cast %get3A_675 : vector<1x16xf32> to vector<16xf32>
        %add3A_677 = arith.addf %add3A_670, %get3A_676 : vector<16xf32>
        %add3A_678 = arith.constant 2 : i32
        %add3A_679 = arith.addi %add3A_299, %add3A_678 : i32
        %get3A_680 = arith.index_cast %add3A_679 : i32 to index
        %get3A_681 = arith.constant 208 : index
        %get3A_682 = tpu.vector_load %arg7[%get3A_680, %get3A_681] {strides = array<i32>} : memref<208x256xf32, #tpu.memory_space<vmem>>, vector<1x16xf32>,
        %get3A_683 = vector.shape_cast %get3A_682 : vector<1x16xf32> to vector<16xf32>
        %add3A_684 = arith.addf %add3A_677, %get3A_683 : vector<16xf32>
        %add3A_685 = arith.constant 3 : i32
        %add3A_686 = arith.addi %add3A_299, %add3A_685 : i32
        %get3A_687 = arith.index_cast %add3A_686 : i32 to index
        %get3A_688 = arith.constant 208 : index
        %get3A_689 = tpu.vector_load %arg7[%get3A_687, %get3A_688] {strides = array<i32>} : memref<208x256xf32, #tpu.memory_space<vmem>>, vector<1x16xf32>,
        %get3A_690 = vector.shape_cast %get3A_689 : vector<1x16xf32> to vector<16xf32>
        %add3A_691 = arith.addf %add3A_684, %get3A_690 : vector<16xf32>
        %add3A_692 = arith.constant 0 : i32
        %add3A_693 = arith.addi %add3A_299, %add3A_692 : i32
        %get3A_694 = arith.index_cast %add3A_693 : i32 to index
        %get3A_695 = arith.constant 224 : index
        %get3A_696 = tpu.vector_load %arg7[%get3A_694, %get3A_695] {strides = array<i32>} : memref<208x256xf32, #tpu.memory_space<vmem>>, vector<1x16xf32>,
        %get3A_697 = vector.shape_cast %get3A_696 : vector<1x16xf32> to vector<16xf32>
        %add3A_698 = arith.addf %scan3A_294, %get3A_697 : vector<16xf32>
        %add3A_699 = arith.constant 1 : i32
        %add3A_700 = arith.addi %add3A_299, %add3A_699 : i32
        %get3A_701 = arith.index_cast %add3A_700 : i32 to index
        %get3A_702 = arith.constant 224 : index
        %get3A_703 = tpu.vector_load %arg7[%get3A_701, %get3A_702] {strides = array<i32>} : memref<208x256xf32, #tpu.memory_space<vmem>>, vector<1x16xf32>,
        %get3A_704 = vector.shape_cast %get3A_703 : vector<1x16xf32> to vector<16xf32>
        %add3A_705 = arith.addf %add3A_698, %get3A_704 : vector<16xf32>
        %add3A_706 = arith.constant 2 : i32
        %add3A_707 = arith.addi %add3A_299, %add3A_706 : i32
        %get3A_708 = arith.index_cast %add3A_707 : i32 to index
        %get3A_709 = arith.constant 224 : index
        %get3A_710 = tpu.vector_load %arg7[%get3A_708, %get3A_709] {strides = array<i32>} : memref<208x256xf32, #tpu.memory_space<vmem>>, vector<1x16xf32>,
        %get3A_711 = vector.shape_cast %get3A_710 : vector<1x16xf32> to vector<16xf32>
        %add3A_712 = arith.addf %add3A_705, %get3A_711 : vector<16xf32>
        %add3A_713 = arith.constant 3 : i32
        %add3A_714 = arith.addi %add3A_299, %add3A_713 : i32
        %get3A_715 = arith.index_cast %add3A_714 : i32 to index
        %get3A_716 = arith.constant 224 : index
        %get3A_717 = tpu.vector_load %arg7[%get3A_715, %get3A_716] {strides = array<i32>} : memref<208x256xf32, #tpu.memory_space<vmem>>, vector<1x16xf32>,
        %get3A_718 = vector.shape_cast %get3A_717 : vector<1x16xf32> to vector<16xf32>
        %add3A_719 = arith.addf %add3A_712, %get3A_718 : vector<16xf32>
        %add3A_720 = arith.constant 0 : i32
        %add3A_721 = arith.addi %add3A_299, %add3A_720 : i32
        %get3A_722 = arith.index_cast %add3A_721 : i32 to index
        %get3A_723 = arith.constant 240 : index
        %get3A_724 = tpu.vector_load %arg7[%get3A_722, %get3A_723] {strides = array<i32>} : memref<208x256xf32, #tpu.memory_space<vmem>>, vector<1x16xf32>,
        %get3A_725 = vector.shape_cast %get3A_724 : vector<1x16xf32> to vector<16xf32>
        %add3A_726 = arith.addf %scan3A_295, %get3A_725 : vector<16xf32>
        %add3A_727 = arith.constant 1 : i32
        %add3A_728 = arith.addi %add3A_299, %add3A_727 : i32
        %get3A_729 = arith.index_cast %add3A_728 : i32 to index
        %get3A_730 = arith.constant 240 : index
        %get3A_731 = tpu.vector_load %arg7[%get3A_729, %get3A_730] {strides = array<i32>} : memref<208x256xf32, #tpu.memory_space<vmem>>, vector<1x16xf32>,
        %get3A_732 = vector.shape_cast %get3A_731 : vector<1x16xf32> to vector<16xf32>
        %add3A_733 = arith.addf %add3A_726, %get3A_732 : vector<16xf32>
        %add3A_734 = arith.constant 2 : i32
        %add3A_735 = arith.addi %add3A_299, %add3A_734 : i32
        %get3A_736 = arith.index_cast %add3A_735 : i32 to index
        %get3A_737 = arith.constant 240 : index
        %get3A_738 = tpu.vector_load %arg7[%get3A_736, %get3A_737] {strides = array<i32>} : memref<208x256xf32, #tpu.memory_space<vmem>>, vector<1x16xf32>,
        %get3A_739 = vector.shape_cast %get3A_738 : vector<1x16xf32> to vector<16xf32>
        %add3A_740 = arith.addf %add3A_733, %get3A_739 : vector<16xf32>
        %add3A_741 = arith.constant 3 : i32
        %add3A_742 = arith.addi %add3A_299, %add3A_741 : i32
        %get3A_743 = arith.index_cast %add3A_742 : i32 to index
        %get3A_744 = arith.constant 240 : index
        %get3A_745 = tpu.vector_load %arg7[%get3A_743, %get3A_744] {strides = array<i32>} : memref<208x256xf32, #tpu.memory_space<vmem>>, vector<1x16xf32>,
        %get3A_746 = vector.shape_cast %get3A_745 : vector<1x16xf32> to vector<16xf32>
        %add3A_747 = arith.addf %add3A_740, %get3A_746 : vector<16xf32>
        scf.yield %add3A_327, %add3A_355, %add3A_383, %add3A_411, %add3A_439, %add3A_467, %add3A_495, %add3A_523, %add3A_551, %add3A_579, %add3A_607, %add3A_635, %add3A_663, %add3A_691, %add3A_719, %add3A_747 : vector<16xf32>, vector<16xf32>, vector<16xf32>, vector<16xf32>, vector<16xf32>, vector<16xf32>, vector<16xf32>, vector<16xf32>, vector<16xf32>, vector<16xf32>, vector<16xf32>, vector<16xf32>, vector<16xf32>, vector<16xf32>, vector<16xf32>, vector<16xf32>
      }
      %scan3A_60 = arith.constant 26 : i32
      %dma_wait3A_61 = arith.constant 104 : i32
      %dma_wait3A_62 = arith.constant 0 : i32
      %dma_wait3A_63 = tpu.memref_slice %arg7[%dma_wait3A_61, %dma_wait3A_62] : memref<208x256xf32, #tpu.memory_space<vmem>> -> memref<104x256xf32, #tpu.memory_space<vmem>>
      %dma_wait3A_64 = arith.constant 0 : i32
      %dma_wait3A_65 = arith.constant 0 : i32
      %dma_wait3A_66 = tpu.memref_slice %arg3[%dma_wait3A_64, %dma_wait3A_65] : memref<16384x256xf32, #tpu.memory_space<hbm>> -> memref<16384x256xf32, #tpu.memory_space<hbm>>
      tpu.wait_indirect_dma semaphore(%arg10 : memref<!tpu.dma_semaphore, #tpu.memory_space<semaphore_mem>>) src(%dma_wait3A_66 : memref<16384x256xf32, #tpu.memory_space<hbm>>) dst(%dma_wait3A_63 : memref<104x256xf32, #tpu.memory_space<vmem>>)
      %scan3A_67 = arith.constant 0 : i32
      %scan3A_68 = arith.constant 25 : i32
      %scan3A_69 = arith.addi %scan3A_67, %scan3A_68 : i32
      %scan3A_70 = arith.constant 1 : i32
      %scan3A_71:16 = scf.for %scan3A_279 = %scan3A_67 to %scan3A_69 step %scan3A_70 iter_args(%scan3A_280 = %scan3A_59#0, %scan3A_281 = %scan3A_59#1, %scan3A_282 = %scan3A_59#2, %scan3A_283 = %scan3A_59#3, %scan3A_284 = %scan3A_59#4, %scan3A_285 = %scan3A_59#5, %scan3A_286 = %scan3A_59#6, %scan3A_287 = %scan3A_59#7, %scan3A_288 = %scan3A_59#8, %scan3A_289 = %scan3A_59#9, %scan3A_290 = %scan3A_59#10, %scan3A_291 = %scan3A_59#11, %scan3A_292 = %scan3A_59#12, %scan3A_293 = %scan3A_59#13, %scan3A_294 = %scan3A_59#14, %scan3A_295 = %scan3A_59#15) -> (vector<16xf32>, vector<16xf32>, vector<16xf32>, vector<16xf32>, vector<16xf32>, vector<16xf32>, vector<16xf32>, vector<16xf32>, vector<16xf32>, vector<16xf32>, vector<16xf32>, vector<16xf32>, vector<16xf32>, vector<16xf32>, vector<16xf32>, vector<16xf32>)  : i32 {
        %mul3A_296 = arith.constant 4 : i32
        %mul3A_297 = arith.muli %scan3A_279, %mul3A_296 : i32
        %add3A_298 = arith.constant 104 : i32
        %add3A_299 = arith.addi %add3A_298, %mul3A_297 : i32
        %add3A_300 = arith.constant 0 : i32
        %add3A_301 = arith.addi %add3A_299, %add3A_300 : i32
        %get3A_302 = arith.index_cast %add3A_301 : i32 to index
        %get3A_303 = arith.constant 0 : index
        %get3A_304 = tpu.vector_load %arg7[%get3A_302, %get3A_303] {strides = array<i32>} : memref<208x256xf32, #tpu.memory_space<vmem>>, vector<1x16xf32>,
        %get3A_305 = vector.shape_cast %get3A_304 : vector<1x16xf32> to vector<16xf32>
        %add3A_306 = arith.addf %scan3A_280, %get3A_305 : vector<16xf32>
        %add3A_307 = arith.constant 1 : i32
        %add3A_308 = arith.addi %add3A_299, %add3A_307 : i32
        %get3A_309 = arith.index_cast %add3A_308 : i32 to index
        %get3A_310 = arith.constant 0 : index
        %get3A_311 = tpu.vector_load %arg7[%get3A_309, %get3A_310] {strides = array<i32>} : memref<208x256xf32, #tpu.memory_space<vmem>>, vector<1x16xf32>,
        %get3A_312 = vector.shape_cast %get3A_311 : vector<1x16xf32> to vector<16xf32>
        %add3A_313 = arith.addf %add3A_306, %get3A_312 : vector<16xf32>
        %add3A_314 = arith.constant 2 : i32
        %add3A_315 = arith.addi %add3A_299, %add3A_314 : i32
        %get3A_316 = arith.index_cast %add3A_315 : i32 to index
        %get3A_317 = arith.constant 0 : index
        %get3A_318 = tpu.vector_load %arg7[%get3A_316, %get3A_317] {strides = array<i32>} : memref<208x256xf32, #tpu.memory_space<vmem>>, vector<1x16xf32>,
        %get3A_319 = vector.shape_cast %get3A_318 : vector<1x16xf32> to vector<16xf32>
        %add3A_320 = arith.addf %add3A_313, %get3A_319 : vector<16xf32>
        %add3A_321 = arith.constant 3 : i32
        %add3A_322 = arith.addi %add3A_299, %add3A_321 : i32
        %get3A_323 = arith.index_cast %add3A_322 : i32 to index
        %get3A_324 = arith.constant 0 : index
        %get3A_325 = tpu.vector_load %arg7[%get3A_323, %get3A_324] {strides = array<i32>} : memref<208x256xf32, #tpu.memory_space<vmem>>, vector<1x16xf32>,
        %get3A_326 = vector.shape_cast %get3A_325 : vector<1x16xf32> to vector<16xf32>
        %add3A_327 = arith.addf %add3A_320, %get3A_326 : vector<16xf32>
        %add3A_328 = arith.constant 0 : i32
        %add3A_329 = arith.addi %add3A_299, %add3A_328 : i32
        %get3A_330 = arith.index_cast %add3A_329 : i32 to index
        %get3A_331 = arith.constant 16 : index
        %get3A_332 = tpu.vector_load %arg7[%get3A_330, %get3A_331] {strides = array<i32>} : memref<208x256xf32, #tpu.memory_space<vmem>>, vector<1x16xf32>,
        %get3A_333 = vector.shape_cast %get3A_332 : vector<1x16xf32> to vector<16xf32>
        %add3A_334 = arith.addf %scan3A_281, %get3A_333 : vector<16xf32>
        %add3A_335 = arith.constant 1 : i32
        %add3A_336 = arith.addi %add3A_299, %add3A_335 : i32
        %get3A_337 = arith.index_cast %add3A_336 : i32 to index
        %get3A_338 = arith.constant 16 : index
        %get3A_339 = tpu.vector_load %arg7[%get3A_337, %get3A_338] {strides = array<i32>} : memref<208x256xf32, #tpu.memory_space<vmem>>, vector<1x16xf32>,
        %get3A_340 = vector.shape_cast %get3A_339 : vector<1x16xf32> to vector<16xf32>
        %add3A_341 = arith.addf %add3A_334, %get3A_340 : vector<16xf32>
        %add3A_342 = arith.constant 2 : i32
        %add3A_343 = arith.addi %add3A_299, %add3A_342 : i32
        %get3A_344 = arith.index_cast %add3A_343 : i32 to index
        %get3A_345 = arith.constant 16 : index
        %get3A_346 = tpu.vector_load %arg7[%get3A_344, %get3A_345] {strides = array<i32>} : memref<208x256xf32, #tpu.memory_space<vmem>>, vector<1x16xf32>,
        %get3A_347 = vector.shape_cast %get3A_346 : vector<1x16xf32> to vector<16xf32>
        %add3A_348 = arith.addf %add3A_341, %get3A_347 : vector<16xf32>
        %add3A_349 = arith.constant 3 : i32
        %add3A_350 = arith.addi %add3A_299, %add3A_349 : i32
        %get3A_351 = arith.index_cast %add3A_350 : i32 to index
        %get3A_352 = arith.constant 16 : index
        %get3A_353 = tpu.vector_load %arg7[%get3A_351, %get3A_352] {strides = array<i32>} : memref<208x256xf32, #tpu.memory_space<vmem>>, vector<1x16xf32>,
        %get3A_354 = vector.shape_cast %get3A_353 : vector<1x16xf32> to vector<16xf32>
        %add3A_355 = arith.addf %add3A_348, %get3A_354 : vector<16xf32>
        %add3A_356 = arith.constant 0 : i32
        %add3A_357 = arith.addi %add3A_299, %add3A_356 : i32
        %get3A_358 = arith.index_cast %add3A_357 : i32 to index
        %get3A_359 = arith.constant 32 : index
        %get3A_360 = tpu.vector_load %arg7[%get3A_358, %get3A_359] {strides = array<i32>} : memref<208x256xf32, #tpu.memory_space<vmem>>, vector<1x16xf32>,
        %get3A_361 = vector.shape_cast %get3A_360 : vector<1x16xf32> to vector<16xf32>
        %add3A_362 = arith.addf %scan3A_282, %get3A_361 : vector<16xf32>
        %add3A_363 = arith.constant 1 : i32
        %add3A_364 = arith.addi %add3A_299, %add3A_363 : i32
        %get3A_365 = arith.index_cast %add3A_364 : i32 to index
        %get3A_366 = arith.constant 32 : index
        %get3A_367 = tpu.vector_load %arg7[%get3A_365, %get3A_366] {strides = array<i32>} : memref<208x256xf32, #tpu.memory_space<vmem>>, vector<1x16xf32>,
        %get3A_368 = vector.shape_cast %get3A_367 : vector<1x16xf32> to vector<16xf32>
        %add3A_369 = arith.addf %add3A_362, %get3A_368 : vector<16xf32>
        %add3A_370 = arith.constant 2 : i32
        %add3A_371 = arith.addi %add3A_299, %add3A_370 : i32
        %get3A_372 = arith.index_cast %add3A_371 : i32 to index
        %get3A_373 = arith.constant 32 : index
        %get3A_374 = tpu.vector_load %arg7[%get3A_372, %get3A_373] {strides = array<i32>} : memref<208x256xf32, #tpu.memory_space<vmem>>, vector<1x16xf32>,
        %get3A_375 = vector.shape_cast %get3A_374 : vector<1x16xf32> to vector<16xf32>
        %add3A_376 = arith.addf %add3A_369, %get3A_375 : vector<16xf32>
        %add3A_377 = arith.constant 3 : i32
        %add3A_378 = arith.addi %add3A_299, %add3A_377 : i32
        %get3A_379 = arith.index_cast %add3A_378 : i32 to index
        %get3A_380 = arith.constant 32 : index
        %get3A_381 = tpu.vector_load %arg7[%get3A_379, %get3A_380] {strides = array<i32>} : memref<208x256xf32, #tpu.memory_space<vmem>>, vector<1x16xf32>,
        %get3A_382 = vector.shape_cast %get3A_381 : vector<1x16xf32> to vector<16xf32>
        %add3A_383 = arith.addf %add3A_376, %get3A_382 : vector<16xf32>
        %add3A_384 = arith.constant 0 : i32
        %add3A_385 = arith.addi %add3A_299, %add3A_384 : i32
        %get3A_386 = arith.index_cast %add3A_385 : i32 to index
        %get3A_387 = arith.constant 48 : index
        %get3A_388 = tpu.vector_load %arg7[%get3A_386, %get3A_387] {strides = array<i32>} : memref<208x256xf32, #tpu.memory_space<vmem>>, vector<1x16xf32>,
        %get3A_389 = vector.shape_cast %get3A_388 : vector<1x16xf32> to vector<16xf32>
        %add3A_390 = arith.addf %scan3A_283, %get3A_389 : vector<16xf32>
        %add3A_391 = arith.constant 1 : i32
        %add3A_392 = arith.addi %add3A_299, %add3A_391 : i32
        %get3A_393 = arith.index_cast %add3A_392 : i32 to index
        %get3A_394 = arith.constant 48 : index
        %get3A_395 = tpu.vector_load %arg7[%get3A_393, %get3A_394] {strides = array<i32>} : memref<208x256xf32, #tpu.memory_space<vmem>>, vector<1x16xf32>,
        %get3A_396 = vector.shape_cast %get3A_395 : vector<1x16xf32> to vector<16xf32>
        %add3A_397 = arith.addf %add3A_390, %get3A_396 : vector<16xf32>
        %add3A_398 = arith.constant 2 : i32
        %add3A_399 = arith.addi %add3A_299, %add3A_398 : i32
        %get3A_400 = arith.index_cast %add3A_399 : i32 to index
        %get3A_401 = arith.constant 48 : index
        %get3A_402 = tpu.vector_load %arg7[%get3A_400, %get3A_401] {strides = array<i32>} : memref<208x256xf32, #tpu.memory_space<vmem>>, vector<1x16xf32>,
        %get3A_403 = vector.shape_cast %get3A_402 : vector<1x16xf32> to vector<16xf32>
        %add3A_404 = arith.addf %add3A_397, %get3A_403 : vector<16xf32>
        %add3A_405 = arith.constant 3 : i32
        %add3A_406 = arith.addi %add3A_299, %add3A_405 : i32
        %get3A_407 = arith.index_cast %add3A_406 : i32 to index
        %get3A_408 = arith.constant 48 : index
        %get3A_409 = tpu.vector_load %arg7[%get3A_407, %get3A_408] {strides = array<i32>} : memref<208x256xf32, #tpu.memory_space<vmem>>, vector<1x16xf32>,
        %get3A_410 = vector.shape_cast %get3A_409 : vector<1x16xf32> to vector<16xf32>
        %add3A_411 = arith.addf %add3A_404, %get3A_410 : vector<16xf32>
        %add3A_412 = arith.constant 0 : i32
        %add3A_413 = arith.addi %add3A_299, %add3A_412 : i32
        %get3A_414 = arith.index_cast %add3A_413 : i32 to index
        %get3A_415 = arith.constant 64 : index
        %get3A_416 = tpu.vector_load %arg7[%get3A_414, %get3A_415] {strides = array<i32>} : memref<208x256xf32, #tpu.memory_space<vmem>>, vector<1x16xf32>,
        %get3A_417 = vector.shape_cast %get3A_416 : vector<1x16xf32> to vector<16xf32>
        %add3A_418 = arith.addf %scan3A_284, %get3A_417 : vector<16xf32>
        %add3A_419 = arith.constant 1 : i32
        %add3A_420 = arith.addi %add3A_299, %add3A_419 : i32
        %get3A_421 = arith.index_cast %add3A_420 : i32 to index
        %get3A_422 = arith.constant 64 : index
        %get3A_423 = tpu.vector_load %arg7[%get3A_421, %get3A_422] {strides = array<i32>} : memref<208x256xf32, #tpu.memory_space<vmem>>, vector<1x16xf32>,
        %get3A_424 = vector.shape_cast %get3A_423 : vector<1x16xf32> to vector<16xf32>
        %add3A_425 = arith.addf %add3A_418, %get3A_424 : vector<16xf32>
        %add3A_426 = arith.constant 2 : i32
        %add3A_427 = arith.addi %add3A_299, %add3A_426 : i32
        %get3A_428 = arith.index_cast %add3A_427 : i32 to index
        %get3A_429 = arith.constant 64 : index
        %get3A_430 = tpu.vector_load %arg7[%get3A_428, %get3A_429] {strides = array<i32>} : memref<208x256xf32, #tpu.memory_space<vmem>>, vector<1x16xf32>,
        %get3A_431 = vector.shape_cast %get3A_430 : vector<1x16xf32> to vector<16xf32>
        %add3A_432 = arith.addf %add3A_425, %get3A_431 : vector<16xf32>
        %add3A_433 = arith.constant 3 : i32
        %add3A_434 = arith.addi %add3A_299, %add3A_433 : i32
        %get3A_435 = arith.index_cast %add3A_434 : i32 to index
        %get3A_436 = arith.constant 64 : index
        %get3A_437 = tpu.vector_load %arg7[%get3A_435, %get3A_436] {strides = array<i32>} : memref<208x256xf32, #tpu.memory_space<vmem>>, vector<1x16xf32>,
        %get3A_438 = vector.shape_cast %get3A_437 : vector<1x16xf32> to vector<16xf32>
        %add3A_439 = arith.addf %add3A_432, %get3A_438 : vector<16xf32>
        %add3A_440 = arith.constant 0 : i32
        %add3A_441 = arith.addi %add3A_299, %add3A_440 : i32
        %get3A_442 = arith.index_cast %add3A_441 : i32 to index
        %get3A_443 = arith.constant 80 : index
        %get3A_444 = tpu.vector_load %arg7[%get3A_442, %get3A_443] {strides = array<i32>} : memref<208x256xf32, #tpu.memory_space<vmem>>, vector<1x16xf32>,
        %get3A_445 = vector.shape_cast %get3A_444 : vector<1x16xf32> to vector<16xf32>
        %add3A_446 = arith.addf %scan3A_285, %get3A_445 : vector<16xf32>
        %add3A_447 = arith.constant 1 : i32
        %add3A_448 = arith.addi %add3A_299, %add3A_447 : i32
        %get3A_449 = arith.index_cast %add3A_448 : i32 to index
        %get3A_450 = arith.constant 80 : index
        %get3A_451 = tpu.vector_load %arg7[%get3A_449, %get3A_450] {strides = array<i32>} : memref<208x256xf32, #tpu.memory_space<vmem>>, vector<1x16xf32>,
        %get3A_452 = vector.shape_cast %get3A_451 : vector<1x16xf32> to vector<16xf32>
        %add3A_453 = arith.addf %add3A_446, %get3A_452 : vector<16xf32>
        %add3A_454 = arith.constant 2 : i32
        %add3A_455 = arith.addi %add3A_299, %add3A_454 : i32
        %get3A_456 = arith.index_cast %add3A_455 : i32 to index
        %get3A_457 = arith.constant 80 : index
        %get3A_458 = tpu.vector_load %arg7[%get3A_456, %get3A_457] {strides = array<i32>} : memref<208x256xf32, #tpu.memory_space<vmem>>, vector<1x16xf32>,
        %get3A_459 = vector.shape_cast %get3A_458 : vector<1x16xf32> to vector<16xf32>
        %add3A_460 = arith.addf %add3A_453, %get3A_459 : vector<16xf32>
        %add3A_461 = arith.constant 3 : i32
        %add3A_462 = arith.addi %add3A_299, %add3A_461 : i32
        %get3A_463 = arith.index_cast %add3A_462 : i32 to index
        %get3A_464 = arith.constant 80 : index
        %get3A_465 = tpu.vector_load %arg7[%get3A_463, %get3A_464] {strides = array<i32>} : memref<208x256xf32, #tpu.memory_space<vmem>>, vector<1x16xf32>,
        %get3A_466 = vector.shape_cast %get3A_465 : vector<1x16xf32> to vector<16xf32>
        %add3A_467 = arith.addf %add3A_460, %get3A_466 : vector<16xf32>
        %add3A_468 = arith.constant 0 : i32
        %add3A_469 = arith.addi %add3A_299, %add3A_468 : i32
        %get3A_470 = arith.index_cast %add3A_469 : i32 to index
        %get3A_471 = arith.constant 96 : index
        %get3A_472 = tpu.vector_load %arg7[%get3A_470, %get3A_471] {strides = array<i32>} : memref<208x256xf32, #tpu.memory_space<vmem>>, vector<1x16xf32>,
        %get3A_473 = vector.shape_cast %get3A_472 : vector<1x16xf32> to vector<16xf32>
        %add3A_474 = arith.addf %scan3A_286, %get3A_473 : vector<16xf32>
        %add3A_475 = arith.constant 1 : i32
        %add3A_476 = arith.addi %add3A_299, %add3A_475 : i32
        %get3A_477 = arith.index_cast %add3A_476 : i32 to index
        %get3A_478 = arith.constant 96 : index
        %get3A_479 = tpu.vector_load %arg7[%get3A_477, %get3A_478] {strides = array<i32>} : memref<208x256xf32, #tpu.memory_space<vmem>>, vector<1x16xf32>,
        %get3A_480 = vector.shape_cast %get3A_479 : vector<1x16xf32> to vector<16xf32>
        %add3A_481 = arith.addf %add3A_474, %get3A_480 : vector<16xf32>
        %add3A_482 = arith.constant 2 : i32
        %add3A_483 = arith.addi %add3A_299, %add3A_482 : i32
        %get3A_484 = arith.index_cast %add3A_483 : i32 to index
        %get3A_485 = arith.constant 96 : index
        %get3A_486 = tpu.vector_load %arg7[%get3A_484, %get3A_485] {strides = array<i32>} : memref<208x256xf32, #tpu.memory_space<vmem>>, vector<1x16xf32>,
        %get3A_487 = vector.shape_cast %get3A_486 : vector<1x16xf32> to vector<16xf32>
        %add3A_488 = arith.addf %add3A_481, %get3A_487 : vector<16xf32>
        %add3A_489 = arith.constant 3 : i32
        %add3A_490 = arith.addi %add3A_299, %add3A_489 : i32
        %get3A_491 = arith.index_cast %add3A_490 : i32 to index
        %get3A_492 = arith.constant 96 : index
        %get3A_493 = tpu.vector_load %arg7[%get3A_491, %get3A_492] {strides = array<i32>} : memref<208x256xf32, #tpu.memory_space<vmem>>, vector<1x16xf32>,
        %get3A_494 = vector.shape_cast %get3A_493 : vector<1x16xf32> to vector<16xf32>
        %add3A_495 = arith.addf %add3A_488, %get3A_494 : vector<16xf32>
        %add3A_496 = arith.constant 0 : i32
        %add3A_497 = arith.addi %add3A_299, %add3A_496 : i32
        %get3A_498 = arith.index_cast %add3A_497 : i32 to index
        %get3A_499 = arith.constant 112 : index
        %get3A_500 = tpu.vector_load %arg7[%get3A_498, %get3A_499] {strides = array<i32>} : memref<208x256xf32, #tpu.memory_space<vmem>>, vector<1x16xf32>,
        %get3A_501 = vector.shape_cast %get3A_500 : vector<1x16xf32> to vector<16xf32>
        %add3A_502 = arith.addf %scan3A_287, %get3A_501 : vector<16xf32>
        %add3A_503 = arith.constant 1 : i32
        %add3A_504 = arith.addi %add3A_299, %add3A_503 : i32
        %get3A_505 = arith.index_cast %add3A_504 : i32 to index
        %get3A_506 = arith.constant 112 : index
        %get3A_507 = tpu.vector_load %arg7[%get3A_505, %get3A_506] {strides = array<i32>} : memref<208x256xf32, #tpu.memory_space<vmem>>, vector<1x16xf32>,
        %get3A_508 = vector.shape_cast %get3A_507 : vector<1x16xf32> to vector<16xf32>
        %add3A_509 = arith.addf %add3A_502, %get3A_508 : vector<16xf32>
        %add3A_510 = arith.constant 2 : i32
        %add3A_511 = arith.addi %add3A_299, %add3A_510 : i32
        %get3A_512 = arith.index_cast %add3A_511 : i32 to index
        %get3A_513 = arith.constant 112 : index
        %get3A_514 = tpu.vector_load %arg7[%get3A_512, %get3A_513] {strides = array<i32>} : memref<208x256xf32, #tpu.memory_space<vmem>>, vector<1x16xf32>,
        %get3A_515 = vector.shape_cast %get3A_514 : vector<1x16xf32> to vector<16xf32>
        %add3A_516 = arith.addf %add3A_509, %get3A_515 : vector<16xf32>
        %add3A_517 = arith.constant 3 : i32
        %add3A_518 = arith.addi %add3A_299, %add3A_517 : i32
        %get3A_519 = arith.index_cast %add3A_518 : i32 to index
        %get3A_520 = arith.constant 112 : index
        %get3A_521 = tpu.vector_load %arg7[%get3A_519, %get3A_520] {strides = array<i32>} : memref<208x256xf32, #tpu.memory_space<vmem>>, vector<1x16xf32>,
        %get3A_522 = vector.shape_cast %get3A_521 : vector<1x16xf32> to vector<16xf32>
        %add3A_523 = arith.addf %add3A_516, %get3A_522 : vector<16xf32>
        %add3A_524 = arith.constant 0 : i32
        %add3A_525 = arith.addi %add3A_299, %add3A_524 : i32
        %get3A_526 = arith.index_cast %add3A_525 : i32 to index
        %get3A_527 = arith.constant 128 : index
        %get3A_528 = tpu.vector_load %arg7[%get3A_526, %get3A_527] {strides = array<i32>} : memref<208x256xf32, #tpu.memory_space<vmem>>, vector<1x16xf32>,
        %get3A_529 = vector.shape_cast %get3A_528 : vector<1x16xf32> to vector<16xf32>
        %add3A_530 = arith.addf %scan3A_288, %get3A_529 : vector<16xf32>
        %add3A_531 = arith.constant 1 : i32
        %add3A_532 = arith.addi %add3A_299, %add3A_531 : i32
        %get3A_533 = arith.index_cast %add3A_532 : i32 to index
        %get3A_534 = arith.constant 128 : index
        %get3A_535 = tpu.vector_load %arg7[%get3A_533, %get3A_534] {strides = array<i32>} : memref<208x256xf32, #tpu.memory_space<vmem>>, vector<1x16xf32>,
        %get3A_536 = vector.shape_cast %get3A_535 : vector<1x16xf32> to vector<16xf32>
        %add3A_537 = arith.addf %add3A_530, %get3A_536 : vector<16xf32>
        %add3A_538 = arith.constant 2 : i32
        %add3A_539 = arith.addi %add3A_299, %add3A_538 : i32
        %get3A_540 = arith.index_cast %add3A_539 : i32 to index
        %get3A_541 = arith.constant 128 : index
        %get3A_542 = tpu.vector_load %arg7[%get3A_540, %get3A_541] {strides = array<i32>} : memref<208x256xf32, #tpu.memory_space<vmem>>, vector<1x16xf32>,
        %get3A_543 = vector.shape_cast %get3A_542 : vector<1x16xf32> to vector<16xf32>
        %add3A_544 = arith.addf %add3A_537, %get3A_543 : vector<16xf32>
        %add3A_545 = arith.constant 3 : i32
        %add3A_546 = arith.addi %add3A_299, %add3A_545 : i32
        %get3A_547 = arith.index_cast %add3A_546 : i32 to index
        %get3A_548 = arith.constant 128 : index
        %get3A_549 = tpu.vector_load %arg7[%get3A_547, %get3A_548] {strides = array<i32>} : memref<208x256xf32, #tpu.memory_space<vmem>>, vector<1x16xf32>,
        %get3A_550 = vector.shape_cast %get3A_549 : vector<1x16xf32> to vector<16xf32>
        %add3A_551 = arith.addf %add3A_544, %get3A_550 : vector<16xf32>
        %add3A_552 = arith.constant 0 : i32
        %add3A_553 = arith.addi %add3A_299, %add3A_552 : i32
        %get3A_554 = arith.index_cast %add3A_553 : i32 to index
        %get3A_555 = arith.constant 144 : index
        %get3A_556 = tpu.vector_load %arg7[%get3A_554, %get3A_555] {strides = array<i32>} : memref<208x256xf32, #tpu.memory_space<vmem>>, vector<1x16xf32>,
        %get3A_557 = vector.shape_cast %get3A_556 : vector<1x16xf32> to vector<16xf32>
        %add3A_558 = arith.addf %scan3A_289, %get3A_557 : vector<16xf32>
        %add3A_559 = arith.constant 1 : i32
        %add3A_560 = arith.addi %add3A_299, %add3A_559 : i32
        %get3A_561 = arith.index_cast %add3A_560 : i32 to index
        %get3A_562 = arith.constant 144 : index
        %get3A_563 = tpu.vector_load %arg7[%get3A_561, %get3A_562] {strides = array<i32>} : memref<208x256xf32, #tpu.memory_space<vmem>>, vector<1x16xf32>,
        %get3A_564 = vector.shape_cast %get3A_563 : vector<1x16xf32> to vector<16xf32>
        %add3A_565 = arith.addf %add3A_558, %get3A_564 : vector<16xf32>
        %add3A_566 = arith.constant 2 : i32
        %add3A_567 = arith.addi %add3A_299, %add3A_566 : i32
        %get3A_568 = arith.index_cast %add3A_567 : i32 to index
        %get3A_569 = arith.constant 144 : index
        %get3A_570 = tpu.vector_load %arg7[%get3A_568, %get3A_569] {strides = array<i32>} : memref<208x256xf32, #tpu.memory_space<vmem>>, vector<1x16xf32>,
        %get3A_571 = vector.shape_cast %get3A_570 : vector<1x16xf32> to vector<16xf32>
        %add3A_572 = arith.addf %add3A_565, %get3A_571 : vector<16xf32>
        %add3A_573 = arith.constant 3 : i32
        %add3A_574 = arith.addi %add3A_299, %add3A_573 : i32
        %get3A_575 = arith.index_cast %add3A_574 : i32 to index
        %get3A_576 = arith.constant 144 : index
        %get3A_577 = tpu.vector_load %arg7[%get3A_575, %get3A_576] {strides = array<i32>} : memref<208x256xf32, #tpu.memory_space<vmem>>, vector<1x16xf32>,
        %get3A_578 = vector.shape_cast %get3A_577 : vector<1x16xf32> to vector<16xf32>
        %add3A_579 = arith.addf %add3A_572, %get3A_578 : vector<16xf32>
        %add3A_580 = arith.constant 0 : i32
        %add3A_581 = arith.addi %add3A_299, %add3A_580 : i32
        %get3A_582 = arith.index_cast %add3A_581 : i32 to index
        %get3A_583 = arith.constant 160 : index
        %get3A_584 = tpu.vector_load %arg7[%get3A_582, %get3A_583] {strides = array<i32>} : memref<208x256xf32, #tpu.memory_space<vmem>>, vector<1x16xf32>,
        %get3A_585 = vector.shape_cast %get3A_584 : vector<1x16xf32> to vector<16xf32>
        %add3A_586 = arith.addf %scan3A_290, %get3A_585 : vector<16xf32>
        %add3A_587 = arith.constant 1 : i32
        %add3A_588 = arith.addi %add3A_299, %add3A_587 : i32
        %get3A_589 = arith.index_cast %add3A_588 : i32 to index
        %get3A_590 = arith.constant 160 : index
        %get3A_591 = tpu.vector_load %arg7[%get3A_589, %get3A_590] {strides = array<i32>} : memref<208x256xf32, #tpu.memory_space<vmem>>, vector<1x16xf32>,
        %get3A_592 = vector.shape_cast %get3A_591 : vector<1x16xf32> to vector<16xf32>
        %add3A_593 = arith.addf %add3A_586, %get3A_592 : vector<16xf32>
        %add3A_594 = arith.constant 2 : i32
        %add3A_595 = arith.addi %add3A_299, %add3A_594 : i32
        %get3A_596 = arith.index_cast %add3A_595 : i32 to index
        %get3A_597 = arith.constant 160 : index
        %get3A_598 = tpu.vector_load %arg7[%get3A_596, %get3A_597] {strides = array<i32>} : memref<208x256xf32, #tpu.memory_space<vmem>>, vector<1x16xf32>,
        %get3A_599 = vector.shape_cast %get3A_598 : vector<1x16xf32> to vector<16xf32>
        %add3A_600 = arith.addf %add3A_593, %get3A_599 : vector<16xf32>
        %add3A_601 = arith.constant 3 : i32
        %add3A_602 = arith.addi %add3A_299, %add3A_601 : i32
        %get3A_603 = arith.index_cast %add3A_602 : i32 to index
        %get3A_604 = arith.constant 160 : index
        %get3A_605 = tpu.vector_load %arg7[%get3A_603, %get3A_604] {strides = array<i32>} : memref<208x256xf32, #tpu.memory_space<vmem>>, vector<1x16xf32>,
        %get3A_606 = vector.shape_cast %get3A_605 : vector<1x16xf32> to vector<16xf32>
        %add3A_607 = arith.addf %add3A_600, %get3A_606 : vector<16xf32>
        %add3A_608 = arith.constant 0 : i32
        %add3A_609 = arith.addi %add3A_299, %add3A_608 : i32
        %get3A_610 = arith.index_cast %add3A_609 : i32 to index
        %get3A_611 = arith.constant 176 : index
        %get3A_612 = tpu.vector_load %arg7[%get3A_610, %get3A_611] {strides = array<i32>} : memref<208x256xf32, #tpu.memory_space<vmem>>, vector<1x16xf32>,
        %get3A_613 = vector.shape_cast %get3A_612 : vector<1x16xf32> to vector<16xf32>
        %add3A_614 = arith.addf %scan3A_291, %get3A_613 : vector<16xf32>
        %add3A_615 = arith.constant 1 : i32
        %add3A_616 = arith.addi %add3A_299, %add3A_615 : i32
        %get3A_617 = arith.index_cast %add3A_616 : i32 to index
        %get3A_618 = arith.constant 176 : index
        %get3A_619 = tpu.vector_load %arg7[%get3A_617, %get3A_618] {strides = array<i32>} : memref<208x256xf32, #tpu.memory_space<vmem>>, vector<1x16xf32>,
        %get3A_620 = vector.shape_cast %get3A_619 : vector<1x16xf32> to vector<16xf32>
        %add3A_621 = arith.addf %add3A_614, %get3A_620 : vector<16xf32>
        %add3A_622 = arith.constant 2 : i32
        %add3A_623 = arith.addi %add3A_299, %add3A_622 : i32
        %get3A_624 = arith.index_cast %add3A_623 : i32 to index
        %get3A_625 = arith.constant 176 : index
        %get3A_626 = tpu.vector_load %arg7[%get3A_624, %get3A_625] {strides = array<i32>} : memref<208x256xf32, #tpu.memory_space<vmem>>, vector<1x16xf32>,
        %get3A_627 = vector.shape_cast %get3A_626 : vector<1x16xf32> to vector<16xf32>
        %add3A_628 = arith.addf %add3A_621, %get3A_627 : vector<16xf32>
        %add3A_629 = arith.constant 3 : i32
        %add3A_630 = arith.addi %add3A_299, %add3A_629 : i32
        %get3A_631 = arith.index_cast %add3A_630 : i32 to index
        %get3A_632 = arith.constant 176 : index
        %get3A_633 = tpu.vector_load %arg7[%get3A_631, %get3A_632] {strides = array<i32>} : memref<208x256xf32, #tpu.memory_space<vmem>>, vector<1x16xf32>,
        %get3A_634 = vector.shape_cast %get3A_633 : vector<1x16xf32> to vector<16xf32>
        %add3A_635 = arith.addf %add3A_628, %get3A_634 : vector<16xf32>
        %add3A_636 = arith.constant 0 : i32
        %add3A_637 = arith.addi %add3A_299, %add3A_636 : i32
        %get3A_638 = arith.index_cast %add3A_637 : i32 to index
        %get3A_639 = arith.constant 192 : index
        %get3A_640 = tpu.vector_load %arg7[%get3A_638, %get3A_639] {strides = array<i32>} : memref<208x256xf32, #tpu.memory_space<vmem>>, vector<1x16xf32>,
        %get3A_641 = vector.shape_cast %get3A_640 : vector<1x16xf32> to vector<16xf32>
        %add3A_642 = arith.addf %scan3A_292, %get3A_641 : vector<16xf32>
        %add3A_643 = arith.constant 1 : i32
        %add3A_644 = arith.addi %add3A_299, %add3A_643 : i32
        %get3A_645 = arith.index_cast %add3A_644 : i32 to index
        %get3A_646 = arith.constant 192 : index
        %get3A_647 = tpu.vector_load %arg7[%get3A_645, %get3A_646] {strides = array<i32>} : memref<208x256xf32, #tpu.memory_space<vmem>>, vector<1x16xf32>,
        %get3A_648 = vector.shape_cast %get3A_647 : vector<1x16xf32> to vector<16xf32>
        %add3A_649 = arith.addf %add3A_642, %get3A_648 : vector<16xf32>
        %add3A_650 = arith.constant 2 : i32
        %add3A_651 = arith.addi %add3A_299, %add3A_650 : i32
        %get3A_652 = arith.index_cast %add3A_651 : i32 to index
        %get3A_653 = arith.constant 192 : index
        %get3A_654 = tpu.vector_load %arg7[%get3A_652, %get3A_653] {strides = array<i32>} : memref<208x256xf32, #tpu.memory_space<vmem>>, vector<1x16xf32>,
        %get3A_655 = vector.shape_cast %get3A_654 : vector<1x16xf32> to vector<16xf32>
        %add3A_656 = arith.addf %add3A_649, %get3A_655 : vector<16xf32>
        %add3A_657 = arith.constant 3 : i32
        %add3A_658 = arith.addi %add3A_299, %add3A_657 : i32
        %get3A_659 = arith.index_cast %add3A_658 : i32 to index
        %get3A_660 = arith.constant 192 : index
        %get3A_661 = tpu.vector_load %arg7[%get3A_659, %get3A_660] {strides = array<i32>} : memref<208x256xf32, #tpu.memory_space<vmem>>, vector<1x16xf32>,
        %get3A_662 = vector.shape_cast %get3A_661 : vector<1x16xf32> to vector<16xf32>
        %add3A_663 = arith.addf %add3A_656, %get3A_662 : vector<16xf32>
        %add3A_664 = arith.constant 0 : i32
        %add3A_665 = arith.addi %add3A_299, %add3A_664 : i32
        %get3A_666 = arith.index_cast %add3A_665 : i32 to index
        %get3A_667 = arith.constant 208 : index
        %get3A_668 = tpu.vector_load %arg7[%get3A_666, %get3A_667] {strides = array<i32>} : memref<208x256xf32, #tpu.memory_space<vmem>>, vector<1x16xf32>,
        %get3A_669 = vector.shape_cast %get3A_668 : vector<1x16xf32> to vector<16xf32>
        %add3A_670 = arith.addf %scan3A_293, %get3A_669 : vector<16xf32>
        %add3A_671 = arith.constant 1 : i32
        %add3A_672 = arith.addi %add3A_299, %add3A_671 : i32
        %get3A_673 = arith.index_cast %add3A_672 : i32 to index
        %get3A_674 = arith.constant 208 : index
        %get3A_675 = tpu.vector_load %arg7[%get3A_673, %get3A_674] {strides = array<i32>} : memref<208x256xf32, #tpu.memory_space<vmem>>, vector<1x16xf32>,
        %get3A_676 = vector.shape_cast %get3A_675 : vector<1x16xf32> to vector<16xf32>
        %add3A_677 = arith.addf %add3A_670, %get3A_676 : vector<16xf32>
        %add3A_678 = arith.constant 2 : i32
        %add3A_679 = arith.addi %add3A_299, %add3A_678 : i32
        %get3A_680 = arith.index_cast %add3A_679 : i32 to index
        %get3A_681 = arith.constant 208 : index
        %get3A_682 = tpu.vector_load %arg7[%get3A_680, %get3A_681] {strides = array<i32>} : memref<208x256xf32, #tpu.memory_space<vmem>>, vector<1x16xf32>,
        %get3A_683 = vector.shape_cast %get3A_682 : vector<1x16xf32> to vector<16xf32>
        %add3A_684 = arith.addf %add3A_677, %get3A_683 : vector<16xf32>
        %add3A_685 = arith.constant 3 : i32
        %add3A_686 = arith.addi %add3A_299, %add3A_685 : i32
        %get3A_687 = arith.index_cast %add3A_686 : i32 to index
        %get3A_688 = arith.constant 208 : index
        %get3A_689 = tpu.vector_load %arg7[%get3A_687, %get3A_688] {strides = array<i32>} : memref<208x256xf32, #tpu.memory_space<vmem>>, vector<1x16xf32>,
        %get3A_690 = vector.shape_cast %get3A_689 : vector<1x16xf32> to vector<16xf32>
        %add3A_691 = arith.addf %add3A_684, %get3A_690 : vector<16xf32>
        %add3A_692 = arith.constant 0 : i32
        %add3A_693 = arith.addi %add3A_299, %add3A_692 : i32
        %get3A_694 = arith.index_cast %add3A_693 : i32 to index
        %get3A_695 = arith.constant 224 : index
        %get3A_696 = tpu.vector_load %arg7[%get3A_694, %get3A_695] {strides = array<i32>} : memref<208x256xf32, #tpu.memory_space<vmem>>, vector<1x16xf32>,
        %get3A_697 = vector.shape_cast %get3A_696 : vector<1x16xf32> to vector<16xf32>
        %add3A_698 = arith.addf %scan3A_294, %get3A_697 : vector<16xf32>
        %add3A_699 = arith.constant 1 : i32
        %add3A_700 = arith.addi %add3A_299, %add3A_699 : i32
        %get3A_701 = arith.index_cast %add3A_700 : i32 to index
        %get3A_702 = arith.constant 224 : index
        %get3A_703 = tpu.vector_load %arg7[%get3A_701, %get3A_702] {strides = array<i32>} : memref<208x256xf32, #tpu.memory_space<vmem>>, vector<1x16xf32>,
        %get3A_704 = vector.shape_cast %get3A_703 : vector<1x16xf32> to vector<16xf32>
        %add3A_705 = arith.addf %add3A_698, %get3A_704 : vector<16xf32>
        %add3A_706 = arith.constant 2 : i32
        %add3A_707 = arith.addi %add3A_299, %add3A_706 : i32
        %get3A_708 = arith.index_cast %add3A_707 : i32 to index
        %get3A_709 = arith.constant 224 : index
        %get3A_710 = tpu.vector_load %arg7[%get3A_708, %get3A_709] {strides = array<i32>} : memref<208x256xf32, #tpu.memory_space<vmem>>, vector<1x16xf32>,
        %get3A_711 = vector.shape_cast %get3A_710 : vector<1x16xf32> to vector<16xf32>
        %add3A_712 = arith.addf %add3A_705, %get3A_711 : vector<16xf32>
        %add3A_713 = arith.constant 3 : i32
        %add3A_714 = arith.addi %add3A_299, %add3A_713 : i32
        %get3A_715 = arith.index_cast %add3A_714 : i32 to index
        %get3A_716 = arith.constant 224 : index
        %get3A_717 = tpu.vector_load %arg7[%get3A_715, %get3A_716] {strides = array<i32>} : memref<208x256xf32, #tpu.memory_space<vmem>>, vector<1x16xf32>,
        %get3A_718 = vector.shape_cast %get3A_717 : vector<1x16xf32> to vector<16xf32>
        %add3A_719 = arith.addf %add3A_712, %get3A_718 : vector<16xf32>
        %add3A_720 = arith.constant 0 : i32
        %add3A_721 = arith.addi %add3A_299, %add3A_720 : i32
        %get3A_722 = arith.index_cast %add3A_721 : i32 to index
        %get3A_723 = arith.constant 240 : index
        %get3A_724 = tpu.vector_load %arg7[%get3A_722, %get3A_723] {strides = array<i32>} : memref<208x256xf32, #tpu.memory_space<vmem>>, vector<1x16xf32>,
        %get3A_725 = vector.shape_cast %get3A_724 : vector<1x16xf32> to vector<16xf32>
        %add3A_726 = arith.addf %scan3A_295, %get3A_725 : vector<16xf32>
        %add3A_727 = arith.constant 1 : i32
        %add3A_728 = arith.addi %add3A_299, %add3A_727 : i32
        %get3A_729 = arith.index_cast %add3A_728 : i32 to index
        %get3A_730 = arith.constant 240 : index
        %get3A_731 = tpu.vector_load %arg7[%get3A_729, %get3A_730] {strides = array<i32>} : memref<208x256xf32, #tpu.memory_space<vmem>>, vector<1x16xf32>,
        %get3A_732 = vector.shape_cast %get3A_731 : vector<1x16xf32> to vector<16xf32>
        %add3A_733 = arith.addf %add3A_726, %get3A_732 : vector<16xf32>
        %add3A_734 = arith.constant 2 : i32
        %add3A_735 = arith.addi %add3A_299, %add3A_734 : i32
        %get3A_736 = arith.index_cast %add3A_735 : i32 to index
        %get3A_737 = arith.constant 240 : index
        %get3A_738 = tpu.vector_load %arg7[%get3A_736, %get3A_737] {strides = array<i32>} : memref<208x256xf32, #tpu.memory_space<vmem>>, vector<1x16xf32>,
        %get3A_739 = vector.shape_cast %get3A_738 : vector<1x16xf32> to vector<16xf32>
        %add3A_740 = arith.addf %add3A_733, %get3A_739 : vector<16xf32>
        %add3A_741 = arith.constant 3 : i32
        %add3A_742 = arith.addi %add3A_299, %add3A_741 : i32
        %get3A_743 = arith.index_cast %add3A_742 : i32 to index
        %get3A_744 = arith.constant 240 : index
        %get3A_745 = tpu.vector_load %arg7[%get3A_743, %get3A_744] {strides = array<i32>} : memref<208x256xf32, #tpu.memory_space<vmem>>, vector<1x16xf32>,
        %get3A_746 = vector.shape_cast %get3A_745 : vector<1x16xf32> to vector<16xf32>
        %add3A_747 = arith.addf %add3A_740, %get3A_746 : vector<16xf32>
        scf.yield %add3A_327, %add3A_355, %add3A_383, %add3A_411, %add3A_439, %add3A_467, %add3A_495, %add3A_523, %add3A_551, %add3A_579, %add3A_607, %add3A_635, %add3A_663, %add3A_691, %add3A_719, %add3A_747 : vector<16xf32>, vector<16xf32>, vector<16xf32>, vector<16xf32>, vector<16xf32>, vector<16xf32>, vector<16xf32>, vector<16xf32>, vector<16xf32>, vector<16xf32>, vector<16xf32>, vector<16xf32>, vector<16xf32>, vector<16xf32>, vector<16xf32>, vector<16xf32>
      }
      %scan3A_72 = arith.constant 25 : i32
      %get3A = arith.constant 204 : i32
      %get3A_73 = arith.index_cast %get3A : i32 to index
      %get3A_74 = arith.constant 0 : index
      %get3A_75 = tpu.vector_load %arg7[%get3A_73, %get3A_74] {strides = array<i32>} : memref<208x256xf32, #tpu.memory_space<vmem>>, vector<1x16xf32>,
      %get3A_76 = vector.shape_cast %get3A_75 : vector<1x16xf32> to vector<16xf32>
      %add3A_77 = arith.addf %scan3A_71#0, %get3A_76 : vector<16xf32>
      %get3A_78 = arith.constant 204 : i32
      %get3A_79 = arith.index_cast %get3A_78 : i32 to index
      %get3A_80 = arith.constant 16 : index
      %get3A_81 = tpu.vector_load %arg7[%get3A_79, %get3A_80] {strides = array<i32>} : memref<208x256xf32, #tpu.memory_space<vmem>>, vector<1x16xf32>,
      %get3A_82 = vector.shape_cast %get3A_81 : vector<1x16xf32> to vector<16xf32>
      %add3A_83 = arith.addf %scan3A_71#1, %get3A_82 : vector<16xf32>
      %get3A_84 = arith.constant 204 : i32
      %get3A_85 = arith.index_cast %get3A_84 : i32 to index
      %get3A_86 = arith.constant 32 : index
      %get3A_87 = tpu.vector_load %arg7[%get3A_85, %get3A_86] {strides = array<i32>} : memref<208x256xf32, #tpu.memory_space<vmem>>, vector<1x16xf32>,
      %get3A_88 = vector.shape_cast %get3A_87 : vector<1x16xf32> to vector<16xf32>
      %add3A_89 = arith.addf %scan3A_71#2, %get3A_88 : vector<16xf32>
      %get3A_90 = arith.constant 204 : i32
      %get3A_91 = arith.index_cast %get3A_90 : i32 to index
      %get3A_92 = arith.constant 48 : index
      %get3A_93 = tpu.vector_load %arg7[%get3A_91, %get3A_92] {strides = array<i32>} : memref<208x256xf32, #tpu.memory_space<vmem>>, vector<1x16xf32>,
      %get3A_94 = vector.shape_cast %get3A_93 : vector<1x16xf32> to vector<16xf32>
      %add3A_95 = arith.addf %scan3A_71#3, %get3A_94 : vector<16xf32>
      %get3A_96 = arith.constant 204 : i32
      %get3A_97 = arith.index_cast %get3A_96 : i32 to index
      %get3A_98 = arith.constant 64 : index
      %get3A_99 = tpu.vector_load %arg7[%get3A_97, %get3A_98] {strides = array<i32>} : memref<208x256xf32, #tpu.memory_space<vmem>>, vector<1x16xf32>,
      %get3A_100 = vector.shape_cast %get3A_99 : vector<1x16xf32> to vector<16xf32>
      %add3A_101 = arith.addf %scan3A_71#4, %get3A_100 : vector<16xf32>
      %get3A_102 = arith.constant 204 : i32
      %get3A_103 = arith.index_cast %get3A_102 : i32 to index
      %get3A_104 = arith.constant 80 : index
      %get3A_105 = tpu.vector_load %arg7[%get3A_103, %get3A_104] {strides = array<i32>} : memref<208x256xf32, #tpu.memory_space<vmem>>, vector<1x16xf32>,
      %get3A_106 = vector.shape_cast %get3A_105 : vector<1x16xf32> to vector<16xf32>
      %add3A_107 = arith.addf %scan3A_71#5, %get3A_106 : vector<16xf32>
      %get3A_108 = arith.constant 204 : i32
      %get3A_109 = arith.index_cast %get3A_108 : i32 to index
      %get3A_110 = arith.constant 96 : index
      %get3A_111 = tpu.vector_load %arg7[%get3A_109, %get3A_110] {strides = array<i32>} : memref<208x256xf32, #tpu.memory_space<vmem>>, vector<1x16xf32>,
      %get3A_112 = vector.shape_cast %get3A_111 : vector<1x16xf32> to vector<16xf32>
      %add3A_113 = arith.addf %scan3A_71#6, %get3A_112 : vector<16xf32>
      %get3A_114 = arith.constant 204 : i32
      %get3A_115 = arith.index_cast %get3A_114 : i32 to index
      %get3A_116 = arith.constant 112 : index
      %get3A_117 = tpu.vector_load %arg7[%get3A_115, %get3A_116] {strides = array<i32>} : memref<208x256xf32, #tpu.memory_space<vmem>>, vector<1x16xf32>,
      %get3A_118 = vector.shape_cast %get3A_117 : vector<1x16xf32> to vector<16xf32>
      %add3A_119 = arith.addf %scan3A_71#7, %get3A_118 : vector<16xf32>
      %get3A_120 = arith.constant 204 : i32
      %get3A_121 = arith.index_cast %get3A_120 : i32 to index
      %get3A_122 = arith.constant 128 : index
      %get3A_123 = tpu.vector_load %arg7[%get3A_121, %get3A_122] {strides = array<i32>} : memref<208x256xf32, #tpu.memory_space<vmem>>, vector<1x16xf32>,
      %get3A_124 = vector.shape_cast %get3A_123 : vector<1x16xf32> to vector<16xf32>
      %add3A_125 = arith.addf %scan3A_71#8, %get3A_124 : vector<16xf32>
      %get3A_126 = arith.constant 204 : i32
      %get3A_127 = arith.index_cast %get3A_126 : i32 to index
      %get3A_128 = arith.constant 144 : index
      %get3A_129 = tpu.vector_load %arg7[%get3A_127, %get3A_128] {strides = array<i32>} : memref<208x256xf32, #tpu.memory_space<vmem>>, vector<1x16xf32>,
      %get3A_130 = vector.shape_cast %get3A_129 : vector<1x16xf32> to vector<16xf32>
      %add3A_131 = arith.addf %scan3A_71#9, %get3A_130 : vector<16xf32>
      %get3A_132 = arith.constant 204 : i32
      %get3A_133 = arith.index_cast %get3A_132 : i32 to index
      %get3A_134 = arith.constant 160 : index
      %get3A_135 = tpu.vector_load %arg7[%get3A_133, %get3A_134] {strides = array<i32>} : memref<208x256xf32, #tpu.memory_space<vmem>>, vector<1x16xf32>,
      %get3A_136 = vector.shape_cast %get3A_135 : vector<1x16xf32> to vector<16xf32>
      %add3A_137 = arith.addf %scan3A_71#10, %get3A_136 : vector<16xf32>
      %get3A_138 = arith.constant 204 : i32
      %get3A_139 = arith.index_cast %get3A_138 : i32 to index
      %get3A_140 = arith.constant 176 : index
      %get3A_141 = tpu.vector_load %arg7[%get3A_139, %get3A_140] {strides = array<i32>} : memref<208x256xf32, #tpu.memory_space<vmem>>, vector<1x16xf32>,
      %get3A_142 = vector.shape_cast %get3A_141 : vector<1x16xf32> to vector<16xf32>
      %add3A_143 = arith.addf %scan3A_71#11, %get3A_142 : vector<16xf32>
      %get3A_144 = arith.constant 204 : i32
      %get3A_145 = arith.index_cast %get3A_144 : i32 to index
      %get3A_146 = arith.constant 192 : index
      %get3A_147 = tpu.vector_load %arg7[%get3A_145, %get3A_146] {strides = array<i32>} : memref<208x256xf32, #tpu.memory_space<vmem>>, vector<1x16xf32>,
      %get3A_148 = vector.shape_cast %get3A_147 : vector<1x16xf32> to vector<16xf32>
      %add3A_149 = arith.addf %scan3A_71#12, %get3A_148 : vector<16xf32>
      %get3A_150 = arith.constant 204 : i32
      %get3A_151 = arith.index_cast %get3A_150 : i32 to index
      %get3A_152 = arith.constant 208 : index
      %get3A_153 = tpu.vector_load %arg7[%get3A_151, %get3A_152] {strides = array<i32>} : memref<208x256xf32, #tpu.memory_space<vmem>>, vector<1x16xf32>,
      %get3A_154 = vector.shape_cast %get3A_153 : vector<1x16xf32> to vector<16xf32>
      %add3A_155 = arith.addf %scan3A_71#13, %get3A_154 : vector<16xf32>
      %get3A_156 = arith.constant 204 : i32
      %get3A_157 = arith.index_cast %get3A_156 : i32 to index
      %get3A_158 = arith.constant 224 : index
      %get3A_159 = tpu.vector_load %arg7[%get3A_157, %get3A_158] {strides = array<i32>} : memref<208x256xf32, #tpu.memory_space<vmem>>, vector<1x16xf32>,
      %get3A_160 = vector.shape_cast %get3A_159 : vector<1x16xf32> to vector<16xf32>
      %add3A_161 = arith.addf %scan3A_71#14, %get3A_160 : vector<16xf32>
      %get3A_162 = arith.constant 204 : i32
      %get3A_163 = arith.index_cast %get3A_162 : i32 to index
      %get3A_164 = arith.constant 240 : index
      %get3A_165 = tpu.vector_load %arg7[%get3A_163, %get3A_164] {strides = array<i32>} : memref<208x256xf32, #tpu.memory_space<vmem>>, vector<1x16xf32>,
      %get3A_166 = vector.shape_cast %get3A_165 : vector<1x16xf32> to vector<16xf32>
      %add3A_167 = arith.addf %scan3A_71#15, %get3A_166 : vector<16xf32>
      %mul3A_168 = arith.constant 0.00487804879 : f32
      %mul3A_169 = vector.broadcast %mul3A_168 : f32 to vector<16xf32>
      %mul3A_170 = arith.mulf %add3A_77, %mul3A_169 : vector<16xf32>
      %swap3A = arith.constant 0 : index
      %swap3A_171 = tpu.vector_load %arg8[%swap3A] {strides = array<i32>} : memref<256xf32, #tpu.memory_space<vmem>>, vector<16xf32>,
      %swap3A_172 = vector.shape_cast %swap3A_171 : vector<16xf32> to vector<16xf32>
      %swap3A_173 = vector.shape_cast %mul3A_170 : vector<16xf32> to vector<16xf32>
      tpu.vector_store %arg8[%swap3A], %swap3A_173 {strides = array<i32>} : memref<256xf32, #tpu.memory_space<vmem>>, vector<16xf32>,
      %mul3A_174 = arith.constant 0.00487804879 : f32
      %mul3A_175 = vector.broadcast %mul3A_174 : f32 to vector<16xf32>
      %mul3A_176 = arith.mulf %add3A_83, %mul3A_175 : vector<16xf32>
      %swap3A_177 = arith.constant 16 : index
      %swap3A_178 = tpu.vector_load %arg8[%swap3A_177] {strides = array<i32>} : memref<256xf32, #tpu.memory_space<vmem>>, vector<16xf32>,
      %swap3A_179 = vector.shape_cast %swap3A_178 : vector<16xf32> to vector<16xf32>
      %swap3A_180 = vector.shape_cast %mul3A_176 : vector<16xf32> to vector<16xf32>
      tpu.vector_store %arg8[%swap3A_177], %swap3A_180 {strides = array<i32>} : memref<256xf32, #tpu.memory_space<vmem>>, vector<16xf32>,
      %mul3A_181 = arith.constant 0.00487804879 : f32
      %mul3A_182 = vector.broadcast %mul3A_181 : f32 to vector<16xf32>
      %mul3A_183 = arith.mulf %add3A_89, %mul3A_182 : vector<16xf32>
      %swap3A_184 = arith.constant 32 : index
      %swap3A_185 = tpu.vector_load %arg8[%swap3A_184] {strides = array<i32>} : memref<256xf32, #tpu.memory_space<vmem>>, vector<16xf32>,
      %swap3A_186 = vector.shape_cast %swap3A_185 : vector<16xf32> to vector<16xf32>
      %swap3A_187 = vector.shape_cast %mul3A_183 : vector<16xf32> to vector<16xf32>
      tpu.vector_store %arg8[%swap3A_184], %swap3A_187 {strides = array<i32>} : memref<256xf32, #tpu.memory_space<vmem>>, vector<16xf32>,
      %mul3A_188 = arith.constant 0.00487804879 : f32
      %mul3A_189 = vector.broadcast %mul3A_188 : f32 to vector<16xf32>
      %mul3A_190 = arith.mulf %add3A_95, %mul3A_189 : vector<16xf32>
      %swap3A_191 = arith.constant 48 : index
      %swap3A_192 = tpu.vector_load %arg8[%swap3A_191] {strides = array<i32>} : memref<256xf32, #tpu.memory_space<vmem>>, vector<16xf32>,
      %swap3A_193 = vector.shape_cast %swap3A_192 : vector<16xf32> to vector<16xf32>
      %swap3A_194 = vector.shape_cast %mul3A_190 : vector<16xf32> to vector<16xf32>
      tpu.vector_store %arg8[%swap3A_191], %swap3A_194 {strides = array<i32>} : memref<256xf32, #tpu.memory_space<vmem>>, vector<16xf32>,
      %mul3A_195 = arith.constant 0.00487804879 : f32
      %mul3A_196 = vector.broadcast %mul3A_195 : f32 to vector<16xf32>
      %mul3A_197 = arith.mulf %add3A_101, %mul3A_196 : vector<16xf32>
      %swap3A_198 = arith.constant 64 : index
      %swap3A_199 = tpu.vector_load %arg8[%swap3A_198] {strides = array<i32>} : memref<256xf32, #tpu.memory_space<vmem>>, vector<16xf32>,
      %swap3A_200 = vector.shape_cast %swap3A_199 : vector<16xf32> to vector<16xf32>
      %swap3A_201 = vector.shape_cast %mul3A_197 : vector<16xf32> to vector<16xf32>
      tpu.vector_store %arg8[%swap3A_198], %swap3A_201 {strides = array<i32>} : memref<256xf32, #tpu.memory_space<vmem>>, vector<16xf32>,
      %mul3A_202 = arith.constant 0.00487804879 : f32
      %mul3A_203 = vector.broadcast %mul3A_202 : f32 to vector<16xf32>
      %mul3A_204 = arith.mulf %add3A_107, %mul3A_203 : vector<16xf32>
      %swap3A_205 = arith.constant 80 : index
      %swap3A_206 = tpu.vector_load %arg8[%swap3A_205] {strides = array<i32>} : memref<256xf32, #tpu.memory_space<vmem>>, vector<16xf32>,
      %swap3A_207 = vector.shape_cast %swap3A_206 : vector<16xf32> to vector<16xf32>
      %swap3A_208 = vector.shape_cast %mul3A_204 : vector<16xf32> to vector<16xf32>
      tpu.vector_store %arg8[%swap3A_205], %swap3A_208 {strides = array<i32>} : memref<256xf32, #tpu.memory_space<vmem>>, vector<16xf32>,
      %mul3A_209 = arith.constant 0.00487804879 : f32
      %mul3A_210 = vector.broadcast %mul3A_209 : f32 to vector<16xf32>
      %mul3A_211 = arith.mulf %add3A_113, %mul3A_210 : vector<16xf32>
      %swap3A_212 = arith.constant 96 : index
      %swap3A_213 = tpu.vector_load %arg8[%swap3A_212] {strides = array<i32>} : memref<256xf32, #tpu.memory_space<vmem>>, vector<16xf32>,
      %swap3A_214 = vector.shape_cast %swap3A_213 : vector<16xf32> to vector<16xf32>
      %swap3A_215 = vector.shape_cast %mul3A_211 : vector<16xf32> to vector<16xf32>
      tpu.vector_store %arg8[%swap3A_212], %swap3A_215 {strides = array<i32>} : memref<256xf32, #tpu.memory_space<vmem>>, vector<16xf32>,
      %mul3A_216 = arith.constant 0.00487804879 : f32
      %mul3A_217 = vector.broadcast %mul3A_216 : f32 to vector<16xf32>
      %mul3A_218 = arith.mulf %add3A_119, %mul3A_217 : vector<16xf32>
      %swap3A_219 = arith.constant 112 : index
      %swap3A_220 = tpu.vector_load %arg8[%swap3A_219] {strides = array<i32>} : memref<256xf32, #tpu.memory_space<vmem>>, vector<16xf32>,
      %swap3A_221 = vector.shape_cast %swap3A_220 : vector<16xf32> to vector<16xf32>
      %swap3A_222 = vector.shape_cast %mul3A_218 : vector<16xf32> to vector<16xf32>
      tpu.vector_store %arg8[%swap3A_219], %swap3A_222 {strides = array<i32>} : memref<256xf32, #tpu.memory_space<vmem>>, vector<16xf32>,
      %mul3A_223 = arith.constant 0.00487804879 : f32
      %mul3A_224 = vector.broadcast %mul3A_223 : f32 to vector<16xf32>
      %mul3A_225 = arith.mulf %add3A_125, %mul3A_224 : vector<16xf32>
      %swap3A_226 = arith.constant 128 : index
      %swap3A_227 = tpu.vector_load %arg8[%swap3A_226] {strides = array<i32>} : memref<256xf32, #tpu.memory_space<vmem>>, vector<16xf32>,
      %swap3A_228 = vector.shape_cast %swap3A_227 : vector<16xf32> to vector<16xf32>
      %swap3A_229 = vector.shape_cast %mul3A_225 : vector<16xf32> to vector<16xf32>
      tpu.vector_store %arg8[%swap3A_226], %swap3A_229 {strides = array<i32>} : memref<256xf32, #tpu.memory_space<vmem>>, vector<16xf32>,
      %mul3A_230 = arith.constant 0.00487804879 : f32
      %mul3A_231 = vector.broadcast %mul3A_230 : f32 to vector<16xf32>
      %mul3A_232 = arith.mulf %add3A_131, %mul3A_231 : vector<16xf32>
      %swap3A_233 = arith.constant 144 : index
      %swap3A_234 = tpu.vector_load %arg8[%swap3A_233] {strides = array<i32>} : memref<256xf32, #tpu.memory_space<vmem>>, vector<16xf32>,
      %swap3A_235 = vector.shape_cast %swap3A_234 : vector<16xf32> to vector<16xf32>
      %swap3A_236 = vector.shape_cast %mul3A_232 : vector<16xf32> to vector<16xf32>
      tpu.vector_store %arg8[%swap3A_233], %swap3A_236 {strides = array<i32>} : memref<256xf32, #tpu.memory_space<vmem>>, vector<16xf32>,
      %mul3A_237 = arith.constant 0.00487804879 : f32
      %mul3A_238 = vector.broadcast %mul3A_237 : f32 to vector<16xf32>
      %mul3A_239 = arith.mulf %add3A_137, %mul3A_238 : vector<16xf32>
      %swap3A_240 = arith.constant 160 : index
      %swap3A_241 = tpu.vector_load %arg8[%swap3A_240] {strides = array<i32>} : memref<256xf32, #tpu.memory_space<vmem>>, vector<16xf32>,
      %swap3A_242 = vector.shape_cast %swap3A_241 : vector<16xf32> to vector<16xf32>
      %swap3A_243 = vector.shape_cast %mul3A_239 : vector<16xf32> to vector<16xf32>
      tpu.vector_store %arg8[%swap3A_240], %swap3A_243 {strides = array<i32>} : memref<256xf32, #tpu.memory_space<vmem>>, vector<16xf32>,
      %mul3A_244 = arith.constant 0.00487804879 : f32
      %mul3A_245 = vector.broadcast %mul3A_244 : f32 to vector<16xf32>
      %mul3A_246 = arith.mulf %add3A_143, %mul3A_245 : vector<16xf32>
      %swap3A_247 = arith.constant 176 : index
      %swap3A_248 = tpu.vector_load %arg8[%swap3A_247] {strides = array<i32>} : memref<256xf32, #tpu.memory_space<vmem>>, vector<16xf32>,
      %swap3A_249 = vector.shape_cast %swap3A_248 : vector<16xf32> to vector<16xf32>
      %swap3A_250 = vector.shape_cast %mul3A_246 : vector<16xf32> to vector<16xf32>
      tpu.vector_store %arg8[%swap3A_247], %swap3A_250 {strides = array<i32>} : memref<256xf32, #tpu.memory_space<vmem>>, vector<16xf32>,
      %mul3A_251 = arith.constant 0.00487804879 : f32
      %mul3A_252 = vector.broadcast %mul3A_251 : f32 to vector<16xf32>
      %mul3A_253 = arith.mulf %add3A_149, %mul3A_252 : vector<16xf32>
      %swap3A_254 = arith.constant 192 : index
      %swap3A_255 = tpu.vector_load %arg8[%swap3A_254] {strides = array<i32>} : memref<256xf32, #tpu.memory_space<vmem>>, vector<16xf32>,
      %swap3A_256 = vector.shape_cast %swap3A_255 : vector<16xf32> to vector<16xf32>
      %swap3A_257 = vector.shape_cast %mul3A_253 : vector<16xf32> to vector<16xf32>
      tpu.vector_store %arg8[%swap3A_254], %swap3A_257 {strides = array<i32>} : memref<256xf32, #tpu.memory_space<vmem>>, vector<16xf32>,
      %mul3A_258 = arith.constant 0.00487804879 : f32
      %mul3A_259 = vector.broadcast %mul3A_258 : f32 to vector<16xf32>
      %mul3A_260 = arith.mulf %add3A_155, %mul3A_259 : vector<16xf32>
      %swap3A_261 = arith.constant 208 : index
      %swap3A_262 = tpu.vector_load %arg8[%swap3A_261] {strides = array<i32>} : memref<256xf32, #tpu.memory_space<vmem>>, vector<16xf32>,
      %swap3A_263 = vector.shape_cast %swap3A_262 : vector<16xf32> to vector<16xf32>
      %swap3A_264 = vector.shape_cast %mul3A_260 : vector<16xf32> to vector<16xf32>
      tpu.vector_store %arg8[%swap3A_261], %swap3A_264 {strides = array<i32>} : memref<256xf32, #tpu.memory_space<vmem>>, vector<16xf32>,
      %mul3A_265 = arith.constant 0.00487804879 : f32
      %mul3A_266 = vector.broadcast %mul3A_265 : f32 to vector<16xf32>
      %mul3A_267 = arith.mulf %add3A_161, %mul3A_266 : vector<16xf32>
      %swap3A_268 = arith.constant 224 : index
      %swap3A_269 = tpu.vector_load %arg8[%swap3A_268] {strides = array<i32>} : memref<256xf32, #tpu.memory_space<vmem>>, vector<16xf32>,
      %swap3A_270 = vector.shape_cast %swap3A_269 : vector<16xf32> to vector<16xf32>
      %swap3A_271 = vector.shape_cast %mul3A_267 : vector<16xf32> to vector<16xf32>
      tpu.vector_store %arg8[%swap3A_268], %swap3A_271 {strides = array<i32>} : memref<256xf32, #tpu.memory_space<vmem>>, vector<16xf32>,
      %mul3A_272 = arith.constant 0.00487804879 : f32
      %mul3A_273 = vector.broadcast %mul3A_272 : f32 to vector<16xf32>
      %mul3A_274 = arith.mulf %add3A_167, %mul3A_273 : vector<16xf32>
      %swap3A_275 = arith.constant 240 : index
      %swap3A_276 = tpu.vector_load %arg8[%swap3A_275] {strides = array<i32>} : memref<256xf32, #tpu.memory_space<vmem>>, vector<16xf32>,
      %swap3A_277 = vector.shape_cast %swap3A_276 : vector<16xf32> to vector<16xf32>
      %swap3A_278 = vector.shape_cast %mul3A_274 : vector<16xf32> to vector<16xf32>
      tpu.vector_store %arg8[%swap3A_275], %swap3A_278 {strides = array<i32>} : memref<256xf32, #tpu.memory_space<vmem>>, vector<16xf32>,
      "tpu.region"() ({
        %run_scoped3A = tpu.sem_alloc : memref<!tpu.dma_semaphore, #tpu.memory_space<semaphore_mem>>
        %dma_start3A_279 = arith.constant 0 : i32
        %dma_start3A_280 = tpu.memref_slice %arg4[%add3A, %dma_start3A_279] : memref<8x256xf32, #tpu.memory_space<hbm>> -> memref<1x256xf32, #tpu.memory_space<hbm>>
        %dma_start3A_281 = tpu.memref_squeeze %dma_start3A_280 : memref<1x256xf32, #tpu.memory_space<hbm>> -> memref<256xf32, #tpu.memory_space<hbm>>
        %dma_start3A_282 = arith.constant 0 : i32
        %dma_start3A_283 = tpu.memref_slice %arg4[%add3A, %dma_start3A_282] : memref<8x256xf32, #tpu.memory_space<hbm>> -> memref<1x256xf32, #tpu.memory_space<hbm>>
        %dma_start3A_284 = tpu.memref_squeeze %dma_start3A_283 : memref<1x256xf32, #tpu.memory_space<hbm>> -> memref<256xf32, #tpu.memory_space<hbm>>
        tpu.enqueue_dma source(%arg8 : memref<256xf32, #tpu.memory_space<vmem>>) target(%dma_start3A_284 : memref<256xf32, #tpu.memory_space<hbm>>) target_semaphore(%run_scoped3A : memref<!tpu.dma_semaphore, #tpu.memory_space<semaphore_mem>>)
        %dma_wait3A_285 = arith.constant 0 : i32
        %dma_wait3A_286 = tpu.memref_slice %arg4[%add3A, %dma_wait3A_285] : memref<8x256xf32, #tpu.memory_space<hbm>> -> memref<1x256xf32, #tpu.memory_space<hbm>>
        %dma_wait3A_287 = tpu.memref_squeeze %dma_wait3A_286 : memref<1x256xf32, #tpu.memory_space<hbm>> -> memref<256xf32, #tpu.memory_space<hbm>>
        %dma_wait3A_288 = arith.constant 0 : i32
        %dma_wait3A_289 = tpu.memref_slice %arg4[%add3A, %dma_wait3A_288] : memref<8x256xf32, #tpu.memory_space<hbm>> -> memref<1x256xf32, #tpu.memory_space<hbm>>
        %dma_wait3A_290 = tpu.memref_squeeze %dma_wait3A_289 : memref<1x256xf32, #tpu.memory_space<hbm>> -> memref<256xf32, #tpu.memory_space<hbm>>
        tpu.wait_dma2 semaphore(%run_scoped3A : memref<!tpu.dma_semaphore, #tpu.memory_space<semaphore_mem>>) src(%arg8 : memref<256xf32, #tpu.memory_space<vmem>>) dst(%dma_wait3A_290 : memref<256xf32, #tpu.memory_space<hbm>>)
        tpu.yield
      }) : () -> ()
    } else {
    }
    return
  }
}

module attributes {stable_mosaic.version = 14 : i64} {
  func.func @_fused_mm_kernel(%arg0: i32, %arg1: memref<2048x1024xf32, #tpu.memory_space<vmem>>, %arg2: memref<512x1024xf32, #tpu.memory_space<vmem>>, %arg3: memref<1x512xf32, #tpu.memory_space<vmem>>, %arg4: memref<512x1024xf32, #tpu.memory_space<vmem>>, %arg5: memref<1x512xf32, #tpu.memory_space<vmem>>, %arg6: memref<256x512xf32, #tpu.memory_space<vmem>>, %arg7: memref<1x256xf32, #tpu.memory_space<vmem>>, %arg8: memref<128x512xf32, #tpu.memory_space<vmem>>, %arg9: memref<1x1xf32, #tpu.memory_space<vmem>>, %arg10: memref<2048x256xf32, #tpu.memory_space<vmem>>, %arg11: memref<2048x1xf32, #tpu.memory_space<vmem>>) attributes {dimension_semantics = [#tpu.dimension_semantics<arbitrary>], iteration_bounds = array<i64: 8>, scalar_prefetch = 0 : i64, scratch_operands = 0 : i64, tpu.core_type = #tpu.core_type<tc>, window_params = [{transform_indices = @transform_0, window_bounds = array<i64: 2048, 1024>}, {pipeline_mode = #tpu.pipeline_mode<synchronous>, transform_indices = @transform_1, window_bounds = array<i64: 512, 1024>}, {pipeline_mode = #tpu.pipeline_mode<synchronous>, transform_indices = @transform_2, window_bounds = array<i64: 1, 512>}, {pipeline_mode = #tpu.pipeline_mode<synchronous>, transform_indices = @transform_3, window_bounds = array<i64: 512, 1024>}, {pipeline_mode = #tpu.pipeline_mode<synchronous>, transform_indices = @transform_4, window_bounds = array<i64: 1, 512>}, {pipeline_mode = #tpu.pipeline_mode<synchronous>, transform_indices = @transform_5, window_bounds = array<i64: 256, 512>}, {pipeline_mode = #tpu.pipeline_mode<synchronous>, transform_indices = @transform_6, window_bounds = array<i64: 1, 256>}, {pipeline_mode = #tpu.pipeline_mode<synchronous>, transform_indices = @transform_7, window_bounds = array<i64: 128, 512>}, {pipeline_mode = #tpu.pipeline_mode<synchronous>, transform_indices = @transform_8, window_bounds = array<i64: 1, 1>}, {transform_indices = @transform_9, window_bounds = array<i64: 2048, 256>}, {transform_indices = @transform_10, window_bounds = array<i64: 2048, 1>}]} {
    %get3A = arith.constant 0 : index
    %get3A_0 = arith.constant 0 : index
    %get3A_1 = vector.load %arg1[%get3A, %get3A_0] : memref<2048x1024xf32, #tpu.memory_space<vmem>>, vector<2048x1024xf32>
    %get3A_2 = arith.constant 0 : index
    %get3A_3 = arith.constant 0 : index
    %get3A_4 = vector.load %arg2[%get3A_2, %get3A_3] : memref<512x1024xf32, #tpu.memory_space<vmem>>, vector<512x1024xf32>
    %dot_general3A = arith.constant dense<0.000000e+00> : vector<2048x512xf32>
    %dot_general3A_5 = tpu.matmul %get3A_1, %get3A_4, %dot_general3A {dimension_numbers = #tpu.dot_dimension_numbers<[1], [1], [0], [0], [0, 0, 1, 0], [], []>, transpose_lhs_hint = false} : vector<2048x1024xf32>, vector<512x1024xf32>, vector<2048x512xf32> -> vector<2048x512xf32>
    %get3A_6 = arith.constant 0 : index
    %get3A_7 = arith.constant 0 : index
    %get3A_8 = vector.load %arg3[%get3A_6, %get3A_7] : memref<1x512xf32, #tpu.memory_space<vmem>>, vector<1x512xf32>
    %add3A = vector.broadcast %get3A_8 : vector<1x512xf32> to vector<2048x512xf32>
    %add3A_9 = arith.addf %dot_general3A_5, %add3A : vector<2048x512xf32>
    %max3A = arith.constant 0.000000e+00 : f32
    %max3A_10 = vector.broadcast %max3A : f32 to vector<2048x512xf32>
    %max3A_11 = arith.maximumf %add3A_9, %max3A_10 : vector<2048x512xf32>
    %get3A_12 = arith.constant 0 : index
    %get3A_13 = arith.constant 0 : index
    %get3A_14 = vector.load %arg6[%get3A_12, %get3A_13] : memref<256x512xf32, #tpu.memory_space<vmem>>, vector<256x512xf32>
    %dot_general3A_15 = arith.constant dense<0.000000e+00> : vector<2048x256xf32>
    %dot_general3A_16 = tpu.matmul %max3A_11, %get3A_14, %dot_general3A_15 {dimension_numbers = #tpu.dot_dimension_numbers<[1], [1], [0], [0], [0, 0, 1, 0], [], []>, transpose_lhs_hint = false} : vector<2048x512xf32>, vector<256x512xf32>, vector<2048x256xf32> -> vector<2048x256xf32>
    %get3A_17 = arith.constant 0 : index
    %get3A_18 = arith.constant 0 : index
    %get3A_19 = vector.load %arg7[%get3A_17, %get3A_18] : memref<1x256xf32, #tpu.memory_space<vmem>>, vector<1x256xf32>
    %add3A_20 = vector.broadcast %get3A_19 : vector<1x256xf32> to vector<2048x256xf32>
    %add3A_21 = arith.addf %dot_general3A_16, %add3A_20 : vector<2048x256xf32>
    %swap3A = arith.constant 0 : index
    %swap3A_22 = arith.constant 0 : index
    %swap3A_23 = vector.load %arg10[%swap3A, %swap3A_22] : memref<2048x256xf32, #tpu.memory_space<vmem>>, vector<2048x256xf32>
    tpu.vector_store %arg10[%swap3A, %swap3A_22], %add3A_21 {strides = array<i32>} : memref<2048x256xf32, #tpu.memory_space<vmem>>, vector<2048x256xf32>,
    %get3A_24 = arith.constant 0 : index
    %get3A_25 = arith.constant 0 : index
    %get3A_26 = vector.load %arg4[%get3A_24, %get3A_25] : memref<512x1024xf32, #tpu.memory_space<vmem>>, vector<512x1024xf32>
    %dot_general3A_27 = arith.constant dense<0.000000e+00> : vector<2048x512xf32>
    %dot_general3A_28 = tpu.matmul %get3A_1, %get3A_26, %dot_general3A_27 {dimension_numbers = #tpu.dot_dimension_numbers<[1], [1], [0], [0], [0, 0, 1, 0], [], []>, transpose_lhs_hint = false} : vector<2048x1024xf32>, vector<512x1024xf32>, vector<2048x512xf32> -> vector<2048x512xf32>
    %get3A_29 = arith.constant 0 : index
    %get3A_30 = arith.constant 0 : index
    %get3A_31 = vector.load %arg5[%get3A_29, %get3A_30] : memref<1x512xf32, #tpu.memory_space<vmem>>, vector<1x512xf32>
    %add3A_32 = vector.broadcast %get3A_31 : vector<1x512xf32> to vector<2048x512xf32>
    %add3A_33 = arith.addf %dot_general3A_28, %add3A_32 : vector<2048x512xf32>
    %tanh3A = math.tanh %add3A_33 : vector<2048x512xf32>
    %get3A_34 = arith.constant 0 : index
    %get3A_35 = arith.constant 0 : index
    %get3A_36 = vector.load %arg8[%get3A_34, %get3A_35] : memref<128x512xf32, #tpu.memory_space<vmem>>, vector<128x512xf32>
    %dot_general3A_37 = arith.constant dense<0.000000e+00> : vector<2048x128xf32>
    %dot_general3A_38 = tpu.matmul %tanh3A, %get3A_36, %dot_general3A_37 {dimension_numbers = #tpu.dot_dimension_numbers<[1], [1], [0], [0], [0, 0, 1, 0], [], []>, transpose_lhs_hint = false} : vector<2048x512xf32>, vector<128x512xf32>, vector<2048x128xf32> -> vector<2048x128xf32>
    %slice3A = vector.extract_strided_slice %dot_general3A_38 {offsets = [0, 0], sizes = [2048, 1], strides = [1, 1]} : vector<2048x128xf32> to vector<2048x1xf32>
    %get3A_39 = arith.constant 0 : index
    %get3A_40 = arith.constant 0 : index
    %get3A_41 = vector.load %arg9[%get3A_39, %get3A_40] : memref<1x1xf32, #tpu.memory_space<vmem>>, vector<1x1xf32>
    %get3A_42 = vector.extract %get3A_41[0, 0] : f32 from vector<1x1xf32>
    %add3A_43 = vector.broadcast %get3A_42 : f32 to vector<2048x1xf32>
    %add3A_44 = arith.addf %slice3A, %add3A_43 : vector<2048x1xf32>
    %swap3A_45 = arith.constant 0 : index
    %swap3A_46 = arith.constant 0 : index
    %swap3A_47 = vector.load %arg11[%swap3A_45, %swap3A_46] : memref<2048x1xf32, #tpu.memory_space<vmem>>, vector<2048x1xf32>
    tpu.vector_store %arg11[%swap3A_45, %swap3A_46], %add3A_44 {strides = array<i32>} : memref<2048x1xf32, #tpu.memory_space<vmem>>, vector<2048x1xf32>,
    return
  }
  func.func @transform_0(%arg0: i32) -> (i32, i32) {
    %c0_i32 = arith.constant 0 : i32
    %c0_i32_0 = arith.constant 0 : i32
    return %arg0, %c0_i32 : i32, i32
  }
  func.func @transform_1(%arg0: i32) -> (i32, i32) {
    %c0_i32 = arith.constant 0 : i32
    %c0_i32_0 = arith.constant 0 : i32
    %c0_i32_1 = arith.constant 0 : i32
    return %c0_i32, %c0_i32_0 : i32, i32
  }
  func.func @transform_2(%arg0: i32) -> (i32, i32) {
    %c0_i32 = arith.constant 0 : i32
    %c0_i32_0 = arith.constant 0 : i32
    %c0_i32_1 = arith.constant 0 : i32
    return %c0_i32, %c0_i32_0 : i32, i32
  }
  func.func @transform_3(%arg0: i32) -> (i32, i32) {
    %c0_i32 = arith.constant 0 : i32
    %c0_i32_0 = arith.constant 0 : i32
    %c0_i32_1 = arith.constant 0 : i32
    return %c0_i32, %c0_i32_0 : i32, i32
  }
  func.func @transform_4(%arg0: i32) -> (i32, i32) {
    %c0_i32 = arith.constant 0 : i32
    %c0_i32_0 = arith.constant 0 : i32
    %c0_i32_1 = arith.constant 0 : i32
    return %c0_i32, %c0_i32_0 : i32, i32
  }
  func.func @transform_5(%arg0: i32) -> (i32, i32) {
    %c0_i32 = arith.constant 0 : i32
    %c0_i32_0 = arith.constant 0 : i32
    %c0_i32_1 = arith.constant 0 : i32
    return %c0_i32, %c0_i32_0 : i32, i32
  }
  func.func @transform_6(%arg0: i32) -> (i32, i32) {
    %c0_i32 = arith.constant 0 : i32
    %c0_i32_0 = arith.constant 0 : i32
    %c0_i32_1 = arith.constant 0 : i32
    return %c0_i32, %c0_i32_0 : i32, i32
  }
  func.func @transform_7(%arg0: i32) -> (i32, i32) {
    %c0_i32 = arith.constant 0 : i32
    %c0_i32_0 = arith.constant 0 : i32
    %c0_i32_1 = arith.constant 0 : i32
    return %c0_i32, %c0_i32_0 : i32, i32
  }
  func.func @transform_8(%arg0: i32) -> (i32, i32) {
    %c0_i32 = arith.constant 0 : i32
    %c0_i32_0 = arith.constant 0 : i32
    %c0_i32_1 = arith.constant 0 : i32
    return %c0_i32, %c0_i32_0 : i32, i32
  }
  func.func @transform_9(%arg0: i32) -> (i32, i32) {
    %c0_i32 = arith.constant 0 : i32
    %c0_i32_0 = arith.constant 0 : i32
    return %arg0, %c0_i32 : i32, i32
  }
  func.func @transform_10(%arg0: i32) -> (i32, i32) {
    %c0_i32 = arith.constant 0 : i32
    %c0_i32_0 = arith.constant 0 : i32
    return %arg0, %c0_i32 : i32, i32
  }
}

module attributes {stable_mosaic.version = 14 : i64} {
  func.func @_weights_kernel(%arg0: i32, %arg1: memref<8x2048xf32, #tpu.memory_space<vmem>>, %arg2: memref<8x2048xf32, #tpu.memory_space<vmem>>, %arg3: memref<8x208xi32, #tpu.memory_space<vmem>>) attributes {dimension_semantics = [#tpu.dimension_semantics<arbitrary>], iteration_bounds = array<i64: 1>, scalar_prefetch = 0 : i64, scratch_operands = 0 : i64, tpu.core_type = #tpu.core_type<tc>, window_params = [{pipeline_mode = #tpu.pipeline_mode<synchronous>, transform_indices = @transform_0, window_bounds = array<i64: 8, 2048>}, {pipeline_mode = #tpu.pipeline_mode<synchronous>, transform_indices = @transform_1, window_bounds = array<i64: 8, 2048>}, {pipeline_mode = #tpu.pipeline_mode<synchronous>, transform_indices = @transform_2, window_bounds = array<i64: 8, 208>}]} {
    %get3A = arith.constant 0 : index
    %get3A_0 = arith.constant 0 : index
    %get3A_1 = vector.load %arg1[%get3A, %get3A_0] : memref<8x2048xf32, #tpu.memory_space<vmem>>, vector<8x2048xf32>
    %bitcast_convert_type3A = tpu.bitcast %get3A_1 : vector<8x2048xf32> -> vector<8x2048xi32>
    %lt3A = arith.constant 0 : i32
    %lt3A_2 = vector.broadcast %lt3A : i32 to vector<8x2048xi32>
    %lt3A_3 = arith.cmpi slt, %bitcast_convert_type3A, %lt3A_2 : vector<8x2048xi32>
    %not3A = arith.constant dense<-1> : vector<8x2048xi32>
    %not3A_4 = arith.xori %bitcast_convert_type3A, %not3A : vector<8x2048xi32>
    %xor3A = arith.constant -2147483648 : i32
    %xor3A_5 = vector.broadcast %xor3A : i32 to vector<8x2048xi32>
    %xor3A_6 = arith.xori %not3A_4, %xor3A_5 : vector<8x2048xi32>
    %select_n3A = arith.select %lt3A_3, %xor3A_6, %bitcast_convert_type3A : vector<8x2048xi1>, vector<8x2048xi32>
    %broadcast_in_dim3A = arith.constant 0 : i32
    %broadcast_in_dim3A_7 = vector.broadcast %broadcast_in_dim3A : i32 to vector<8x1xi32>
    %scan3A = arith.constant 0 : i32
    %scan3A_8 = arith.constant 32 : i32
    %scan3A_9 = arith.addi %scan3A, %scan3A_8 : i32
    %scan3A_10 = arith.constant 1 : i32
    %scan3A_11 = scf.for %scan3A_275 = %scan3A to %scan3A_9 step %scan3A_10 iter_args(%scan3A_276 = %broadcast_in_dim3A_7) -> (vector<8x1xi32>)  : i32 {
      %sub3A_277 = arith.constant 31 : i32
      %sub3A_278 = arith.subi %sub3A_277, %scan3A_275 : i32
      %shift_left3A = arith.constant 1 : i32
      %shift_left3A_279 = arith.shli %shift_left3A, %sub3A_278 : i32
      %or3A_280 = vector.broadcast %shift_left3A_279 : i32 to vector<8x1xi32>
      %or3A_281 = arith.ori %scan3A_276, %or3A_280 : vector<8x1xi32>
      %xor3A_282 = arith.constant -2147483648 : i32
      %xor3A_283 = vector.broadcast %xor3A_282 : i32 to vector<8x1xi32>
      %xor3A_284 = arith.xori %or3A_281, %xor3A_283 : vector<8x1xi32>
      %ge3A = vector.broadcast %xor3A_284 : vector<8x1xi32> to vector<8x2048xi32>
      %ge3A_285 = arith.cmpi sge, %select_n3A, %ge3A : vector<8x2048xi32>
      %convert_element_type3A_286 = arith.extui %ge3A_285 : vector<8x2048xi1> to vector<8x2048xi32>
      %reduce_sum3A_287 = arith.constant dense<0> : vector<8xi32>
      %reduce_sum3A_288 = vector.multi_reduction <add>, %convert_element_type3A_286, %reduce_sum3A_287 [1] : vector<8x2048xi32> to vector<8xi32>
      %broadcast_in_dim3A_289 = vector.shape_cast %reduce_sum3A_288 : vector<8xi32> to vector<8x1xi32>
      %ge3A_290 = arith.constant 205 : i32
      %ge3A_291 = vector.broadcast %ge3A_290 : i32 to vector<8x1xi32>
      %ge3A_292 = arith.cmpi sge, %broadcast_in_dim3A_289, %ge3A_291 : vector<8x1xi32>
      %select_n3A_293 = arith.select %ge3A_292, %or3A_281, %scan3A_276 : vector<8x1xi1>, vector<8x1xi32>
      scf.yield %select_n3A_293 : vector<8x1xi32>
    }
    %scan3A_12 = arith.constant 32 : i32
    %xor3A_13 = arith.constant -2147483648 : i32
    %xor3A_14 = vector.broadcast %xor3A_13 : i32 to vector<8x1xi32>
    %xor3A_15 = arith.xori %scan3A_11, %xor3A_14 : vector<8x1xi32>
    %gt3A = vector.broadcast %xor3A_15 : vector<8x1xi32> to vector<8x2048xi32>
    %gt3A_16 = arith.cmpi sgt, %select_n3A, %gt3A : vector<8x2048xi32>
    %convert_element_type3A = arith.extui %gt3A_16 : vector<8x2048xi1> to vector<8x2048xi32>
    %reduce_sum3A = arith.constant dense<0> : vector<8xi32>
    %reduce_sum3A_17 = vector.multi_reduction <add>, %convert_element_type3A, %reduce_sum3A [1] : vector<8x2048xi32> to vector<8xi32>
    %broadcast_in_dim3A_18 = vector.shape_cast %reduce_sum3A_17 : vector<8xi32> to vector<8x1xi32>
    %eq3A = vector.broadcast %xor3A_15 : vector<8x1xi32> to vector<8x2048xi32>
    %eq3A_19 = arith.cmpi eq, %select_n3A, %eq3A : vector<8x2048xi32>
    %sub3A = arith.constant 205 : i32
    %sub3A_20 = vector.broadcast %sub3A : i32 to vector<8x1xi32>
    %sub3A_21 = arith.subi %sub3A_20, %broadcast_in_dim3A_18 : vector<8x1xi32>
    %convert_element_type3A_22 = arith.extui %eq3A_19 : vector<8x2048xi1> to vector<8x2048xi32>
    %broadcast_in_dim3A_23 = arith.constant 0 : i32
    %broadcast_in_dim3A_24 = vector.broadcast %broadcast_in_dim3A_23 : i32 to vector<8x1xi32>
    %slice3A = vector.extract_strided_slice %convert_element_type3A_22 {offsets = [0, 0], sizes = [8, 2047], strides = [1, 1]} : vector<8x2048xi32> to vector<8x2047xi32>
    %concatenate3A = tpu.concatenate %broadcast_in_dim3A_24, %slice3A in 1 : vector<8x1xi32>, vector<8x2047xi32> -> vector<8x2048xi32>
    %add3A = arith.addi %convert_element_type3A_22, %concatenate3A : vector<8x2048xi32>
    %broadcast_in_dim3A_25 = arith.constant 0 : i32
    %broadcast_in_dim3A_26 = vector.broadcast %broadcast_in_dim3A_25 : i32 to vector<8x2xi32>
    %slice3A_27 = vector.extract_strided_slice %add3A {offsets = [0, 0], sizes = [8, 2046], strides = [1, 1]} : vector<8x2048xi32> to vector<8x2046xi32>
    %concatenate3A_28 = tpu.concatenate %broadcast_in_dim3A_26, %slice3A_27 in 1 : vector<8x2xi32>, vector<8x2046xi32> -> vector<8x2048xi32>
    %add3A_29 = arith.addi %add3A, %concatenate3A_28 : vector<8x2048xi32>
    %broadcast_in_dim3A_30 = arith.constant 0 : i32
    %broadcast_in_dim3A_31 = vector.broadcast %broadcast_in_dim3A_30 : i32 to vector<8x4xi32>
    %slice3A_32 = vector.extract_strided_slice %add3A_29 {offsets = [0, 0], sizes = [8, 2044], strides = [1, 1]} : vector<8x2048xi32> to vector<8x2044xi32>
    %concatenate3A_33 = tpu.concatenate %broadcast_in_dim3A_31, %slice3A_32 in 1 : vector<8x4xi32>, vector<8x2044xi32> -> vector<8x2048xi32>
    %add3A_34 = arith.addi %add3A_29, %concatenate3A_33 : vector<8x2048xi32>
    %broadcast_in_dim3A_35 = arith.constant 0 : i32
    %broadcast_in_dim3A_36 = vector.broadcast %broadcast_in_dim3A_35 : i32 to vector<8x8xi32>
    %slice3A_37 = vector.extract_strided_slice %add3A_34 {offsets = [0, 0], sizes = [8, 2040], strides = [1, 1]} : vector<8x2048xi32> to vector<8x2040xi32>
    %concatenate3A_38 = tpu.concatenate %broadcast_in_dim3A_36, %slice3A_37 in 1 : vector<8x8xi32>, vector<8x2040xi32> -> vector<8x2048xi32>
    %add3A_39 = arith.addi %add3A_34, %concatenate3A_38 : vector<8x2048xi32>
    %broadcast_in_dim3A_40 = arith.constant 0 : i32
    %broadcast_in_dim3A_41 = vector.broadcast %broadcast_in_dim3A_40 : i32 to vector<8x16xi32>
    %slice3A_42 = vector.extract_strided_slice %add3A_39 {offsets = [0, 0], sizes = [8, 2032], strides = [1, 1]} : vector<8x2048xi32> to vector<8x2032xi32>
    %concatenate3A_43 = tpu.concatenate %broadcast_in_dim3A_41, %slice3A_42 in 1 : vector<8x16xi32>, vector<8x2032xi32> -> vector<8x2048xi32>
    %add3A_44 = arith.addi %add3A_39, %concatenate3A_43 : vector<8x2048xi32>
    %broadcast_in_dim3A_45 = arith.constant 0 : i32
    %broadcast_in_dim3A_46 = vector.broadcast %broadcast_in_dim3A_45 : i32 to vector<8x32xi32>
    %slice3A_47 = vector.extract_strided_slice %add3A_44 {offsets = [0, 0], sizes = [8, 2016], strides = [1, 1]} : vector<8x2048xi32> to vector<8x2016xi32>
    %concatenate3A_48 = tpu.concatenate %broadcast_in_dim3A_46, %slice3A_47 in 1 : vector<8x32xi32>, vector<8x2016xi32> -> vector<8x2048xi32>
    %add3A_49 = arith.addi %add3A_44, %concatenate3A_48 : vector<8x2048xi32>
    %broadcast_in_dim3A_50 = arith.constant 0 : i32
    %broadcast_in_dim3A_51 = vector.broadcast %broadcast_in_dim3A_50 : i32 to vector<8x64xi32>
    %slice3A_52 = vector.extract_strided_slice %add3A_49 {offsets = [0, 0], sizes = [8, 1984], strides = [1, 1]} : vector<8x2048xi32> to vector<8x1984xi32>
    %concatenate3A_53 = tpu.concatenate %broadcast_in_dim3A_51, %slice3A_52 in 1 : vector<8x64xi32>, vector<8x1984xi32> -> vector<8x2048xi32>
    %add3A_54 = arith.addi %add3A_49, %concatenate3A_53 : vector<8x2048xi32>
    %broadcast_in_dim3A_55 = arith.constant 0 : i32
    %broadcast_in_dim3A_56 = vector.broadcast %broadcast_in_dim3A_55 : i32 to vector<8x128xi32>
    %slice3A_57 = vector.extract_strided_slice %add3A_54 {offsets = [0, 0], sizes = [8, 1920], strides = [1, 1]} : vector<8x2048xi32> to vector<8x1920xi32>
    %concatenate3A_58 = tpu.concatenate %broadcast_in_dim3A_56, %slice3A_57 in 1 : vector<8x128xi32>, vector<8x1920xi32> -> vector<8x2048xi32>
    %add3A_59 = arith.addi %add3A_54, %concatenate3A_58 : vector<8x2048xi32>
    %broadcast_in_dim3A_60 = arith.constant 0 : i32
    %broadcast_in_dim3A_61 = vector.broadcast %broadcast_in_dim3A_60 : i32 to vector<8x256xi32>
    %slice3A_62 = vector.extract_strided_slice %add3A_59 {offsets = [0, 0], sizes = [8, 1792], strides = [1, 1]} : vector<8x2048xi32> to vector<8x1792xi32>
    %concatenate3A_63 = tpu.concatenate %broadcast_in_dim3A_61, %slice3A_62 in 1 : vector<8x256xi32>, vector<8x1792xi32> -> vector<8x2048xi32>
    %add3A_64 = arith.addi %add3A_59, %concatenate3A_63 : vector<8x2048xi32>
    %broadcast_in_dim3A_65 = arith.constant 0 : i32
    %broadcast_in_dim3A_66 = vector.broadcast %broadcast_in_dim3A_65 : i32 to vector<8x512xi32>
    %slice3A_67 = vector.extract_strided_slice %add3A_64 {offsets = [0, 0], sizes = [8, 1536], strides = [1, 1]} : vector<8x2048xi32> to vector<8x1536xi32>
    %concatenate3A_68 = tpu.concatenate %broadcast_in_dim3A_66, %slice3A_67 in 1 : vector<8x512xi32>, vector<8x1536xi32> -> vector<8x2048xi32>
    %add3A_69 = arith.addi %add3A_64, %concatenate3A_68 : vector<8x2048xi32>
    %broadcast_in_dim3A_70 = arith.constant 0 : i32
    %broadcast_in_dim3A_71 = vector.broadcast %broadcast_in_dim3A_70 : i32 to vector<8x1024xi32>
    %slice3A_72 = vector.extract_strided_slice %add3A_69 {offsets = [0, 0], sizes = [8, 1024], strides = [1, 1]} : vector<8x2048xi32> to vector<8x1024xi32>
    %concatenate3A_73 = tpu.concatenate %broadcast_in_dim3A_71, %slice3A_72 in 1 : vector<8x1024xi32>, vector<8x1024xi32> -> vector<8x2048xi32>
    %add3A_74 = arith.addi %add3A_69, %concatenate3A_73 : vector<8x2048xi32>
    %le3A = vector.broadcast %sub3A_21 : vector<8x1xi32> to vector<8x2048xi32>
    %le3A_75 = arith.cmpi sle, %add3A_74, %le3A : vector<8x2048xi32>
    %and3A = arith.andi %eq3A_19, %le3A_75 : vector<8x2048xi1>
    %or3A = arith.ori %gt3A_16, %and3A : vector<8x2048xi1>
    %jit3A = arith.constant 0.00487804879 : f32
    %jit3A_76 = arith.constant 0.000000e+00 : f32
    %broadcast_in_dim3A_77 = vector.broadcast %jit3A : f32 to vector<8x2048xf32>
    %broadcast_in_dim3A_78 = vector.broadcast %jit3A_76 : f32 to vector<8x2048xf32>
    %select_n3A_79 = arith.select %or3A, %broadcast_in_dim3A_77, %broadcast_in_dim3A_78 : vector<8x2048xi1>, vector<8x2048xf32>
    %reduce_sum3A_80 = arith.constant dense<0.000000e+00> : vector<8xf32>
    %reduce_sum3A_81 = vector.multi_reduction <add>, %select_n3A_79, %reduce_sum3A_80 [1] : vector<8x2048xf32> to vector<8xf32>
    %broadcast_in_dim3A_82 = vector.shape_cast %reduce_sum3A_81 : vector<8xf32> to vector<8x1xf32>
    %add3A_83 = arith.constant 9.99999993E-9 : f32
    %add3A_84 = vector.broadcast %add3A_83 : f32 to vector<8x1xf32>
    %add3A_85 = arith.addf %broadcast_in_dim3A_82, %add3A_84 : vector<8x1xf32>
    %div3A = vector.broadcast %add3A_85 : vector<8x1xf32> to vector<8x2048xf32>
    %div3A_86 = arith.divf %select_n3A_79, %div3A : vector<8x2048xf32>
    %swap3A = arith.constant 0 : index
    %swap3A_87 = arith.constant 0 : index
    %swap3A_88 = vector.load %arg2[%swap3A, %swap3A_87] : memref<8x2048xf32, #tpu.memory_space<vmem>>, vector<8x2048xf32>
    tpu.vector_store %arg2[%swap3A, %swap3A_87], %div3A_86 {strides = array<i32>} : memref<8x2048xf32, #tpu.memory_space<vmem>>, vector<8x2048xf32>,
    %convert_element_type3A_89 = arith.extui %or3A : vector<8x2048xi1> to vector<8x2048xi32>
    %broadcast_in_dim3A_90 = arith.constant 0 : i32
    %broadcast_in_dim3A_91 = vector.broadcast %broadcast_in_dim3A_90 : i32 to vector<8x1xi32>
    %slice3A_92 = vector.extract_strided_slice %convert_element_type3A_89 {offsets = [0, 0], sizes = [8, 2047], strides = [1, 1]} : vector<8x2048xi32> to vector<8x2047xi32>
    %concatenate3A_93 = tpu.concatenate %broadcast_in_dim3A_91, %slice3A_92 in 1 : vector<8x1xi32>, vector<8x2047xi32> -> vector<8x2048xi32>
    %add3A_94 = arith.addi %convert_element_type3A_89, %concatenate3A_93 : vector<8x2048xi32>
    %broadcast_in_dim3A_95 = arith.constant 0 : i32
    %broadcast_in_dim3A_96 = vector.broadcast %broadcast_in_dim3A_95 : i32 to vector<8x2xi32>
    %slice3A_97 = vector.extract_strided_slice %add3A_94 {offsets = [0, 0], sizes = [8, 2046], strides = [1, 1]} : vector<8x2048xi32> to vector<8x2046xi32>
    %concatenate3A_98 = tpu.concatenate %broadcast_in_dim3A_96, %slice3A_97 in 1 : vector<8x2xi32>, vector<8x2046xi32> -> vector<8x2048xi32>
    %add3A_99 = arith.addi %add3A_94, %concatenate3A_98 : vector<8x2048xi32>
    %broadcast_in_dim3A_100 = arith.constant 0 : i32
    %broadcast_in_dim3A_101 = vector.broadcast %broadcast_in_dim3A_100 : i32 to vector<8x4xi32>
    %slice3A_102 = vector.extract_strided_slice %add3A_99 {offsets = [0, 0], sizes = [8, 2044], strides = [1, 1]} : vector<8x2048xi32> to vector<8x2044xi32>
    %concatenate3A_103 = tpu.concatenate %broadcast_in_dim3A_101, %slice3A_102 in 1 : vector<8x4xi32>, vector<8x2044xi32> -> vector<8x2048xi32>
    %add3A_104 = arith.addi %add3A_99, %concatenate3A_103 : vector<8x2048xi32>
    %broadcast_in_dim3A_105 = arith.constant 0 : i32
    %broadcast_in_dim3A_106 = vector.broadcast %broadcast_in_dim3A_105 : i32 to vector<8x8xi32>
    %slice3A_107 = vector.extract_strided_slice %add3A_104 {offsets = [0, 0], sizes = [8, 2040], strides = [1, 1]} : vector<8x2048xi32> to vector<8x2040xi32>
    %concatenate3A_108 = tpu.concatenate %broadcast_in_dim3A_106, %slice3A_107 in 1 : vector<8x8xi32>, vector<8x2040xi32> -> vector<8x2048xi32>
    %add3A_109 = arith.addi %add3A_104, %concatenate3A_108 : vector<8x2048xi32>
    %broadcast_in_dim3A_110 = arith.constant 0 : i32
    %broadcast_in_dim3A_111 = vector.broadcast %broadcast_in_dim3A_110 : i32 to vector<8x16xi32>
    %slice3A_112 = vector.extract_strided_slice %add3A_109 {offsets = [0, 0], sizes = [8, 2032], strides = [1, 1]} : vector<8x2048xi32> to vector<8x2032xi32>
    %concatenate3A_113 = tpu.concatenate %broadcast_in_dim3A_111, %slice3A_112 in 1 : vector<8x16xi32>, vector<8x2032xi32> -> vector<8x2048xi32>
    %add3A_114 = arith.addi %add3A_109, %concatenate3A_113 : vector<8x2048xi32>
    %broadcast_in_dim3A_115 = arith.constant 0 : i32
    %broadcast_in_dim3A_116 = vector.broadcast %broadcast_in_dim3A_115 : i32 to vector<8x32xi32>
    %slice3A_117 = vector.extract_strided_slice %add3A_114 {offsets = [0, 0], sizes = [8, 2016], strides = [1, 1]} : vector<8x2048xi32> to vector<8x2016xi32>
    %concatenate3A_118 = tpu.concatenate %broadcast_in_dim3A_116, %slice3A_117 in 1 : vector<8x32xi32>, vector<8x2016xi32> -> vector<8x2048xi32>
    %add3A_119 = arith.addi %add3A_114, %concatenate3A_118 : vector<8x2048xi32>
    %broadcast_in_dim3A_120 = arith.constant 0 : i32
    %broadcast_in_dim3A_121 = vector.broadcast %broadcast_in_dim3A_120 : i32 to vector<8x64xi32>
    %slice3A_122 = vector.extract_strided_slice %add3A_119 {offsets = [0, 0], sizes = [8, 1984], strides = [1, 1]} : vector<8x2048xi32> to vector<8x1984xi32>
    %concatenate3A_123 = tpu.concatenate %broadcast_in_dim3A_121, %slice3A_122 in 1 : vector<8x64xi32>, vector<8x1984xi32> -> vector<8x2048xi32>
    %add3A_124 = arith.addi %add3A_119, %concatenate3A_123 : vector<8x2048xi32>
    %broadcast_in_dim3A_125 = arith.constant 0 : i32
    %broadcast_in_dim3A_126 = vector.broadcast %broadcast_in_dim3A_125 : i32 to vector<8x128xi32>
    %slice3A_127 = vector.extract_strided_slice %add3A_124 {offsets = [0, 0], sizes = [8, 1920], strides = [1, 1]} : vector<8x2048xi32> to vector<8x1920xi32>
    %concatenate3A_128 = tpu.concatenate %broadcast_in_dim3A_126, %slice3A_127 in 1 : vector<8x128xi32>, vector<8x1920xi32> -> vector<8x2048xi32>
    %add3A_129 = arith.addi %add3A_124, %concatenate3A_128 : vector<8x2048xi32>
    %broadcast_in_dim3A_130 = arith.constant 0 : i32
    %broadcast_in_dim3A_131 = vector.broadcast %broadcast_in_dim3A_130 : i32 to vector<8x256xi32>
    %slice3A_132 = vector.extract_strided_slice %add3A_129 {offsets = [0, 0], sizes = [8, 1792], strides = [1, 1]} : vector<8x2048xi32> to vector<8x1792xi32>
    %concatenate3A_133 = tpu.concatenate %broadcast_in_dim3A_131, %slice3A_132 in 1 : vector<8x256xi32>, vector<8x1792xi32> -> vector<8x2048xi32>
    %add3A_134 = arith.addi %add3A_129, %concatenate3A_133 : vector<8x2048xi32>
    %broadcast_in_dim3A_135 = arith.constant 0 : i32
    %broadcast_in_dim3A_136 = vector.broadcast %broadcast_in_dim3A_135 : i32 to vector<8x512xi32>
    %slice3A_137 = vector.extract_strided_slice %add3A_134 {offsets = [0, 0], sizes = [8, 1536], strides = [1, 1]} : vector<8x2048xi32> to vector<8x1536xi32>
    %concatenate3A_138 = tpu.concatenate %broadcast_in_dim3A_136, %slice3A_137 in 1 : vector<8x512xi32>, vector<8x1536xi32> -> vector<8x2048xi32>
    %add3A_139 = arith.addi %add3A_134, %concatenate3A_138 : vector<8x2048xi32>
    %broadcast_in_dim3A_140 = arith.constant 0 : i32
    %broadcast_in_dim3A_141 = vector.broadcast %broadcast_in_dim3A_140 : i32 to vector<8x1024xi32>
    %slice3A_142 = vector.extract_strided_slice %add3A_139 {offsets = [0, 0], sizes = [8, 1024], strides = [1, 1]} : vector<8x2048xi32> to vector<8x1024xi32>
    %concatenate3A_143 = tpu.concatenate %broadcast_in_dim3A_141, %slice3A_142 in 1 : vector<8x1024xi32>, vector<8x1024xi32> -> vector<8x2048xi32>
    %add3A_144 = arith.addi %add3A_139, %concatenate3A_143 : vector<8x2048xi32>
    %sub3A_145 = arith.constant 1 : i32
    %sub3A_146 = vector.broadcast %sub3A_145 : i32 to vector<8x2048xi32>
    %sub3A_147 = arith.subi %add3A_144, %sub3A_146 : vector<8x2048xi32>
    %jit3A_148 = arith.constant -1 : i32
    %broadcast_in_dim3A_149 = vector.broadcast %jit3A_148 : i32 to vector<8x2048xi32>
    %select_n3A_150 = arith.select %or3A, %sub3A_147, %broadcast_in_dim3A_149 : vector<8x2048xi1>, vector<8x2048xi32>
    %iota3A = tpu.iota {dimensions = array<i32: 1>} : vector<1x2048xi32>
    %iota3A_151 = tpu.iota {dimensions = array<i32: 0>} : vector<208x1xi32>
    %slice3A_152 = vector.extract_strided_slice %select_n3A_150 {offsets = [0, 0], sizes = [1, 2048], strides = [1, 1]} : vector<8x2048xi32> to vector<1x2048xi32>
    %eq3A_153 = vector.broadcast %slice3A_152 : vector<1x2048xi32> to vector<208x2048xi32>
    %eq3A_154 = vector.broadcast %iota3A_151 : vector<208x1xi32> to vector<208x2048xi32>
    %eq3A_155 = arith.cmpi eq, %eq3A_153, %eq3A_154 : vector<208x2048xi32>
    %jit3A_156 = arith.constant 0 : i32
    %broadcast_in_dim3A_157 = vector.shape_cast %iota3A : vector<1x2048xi32> to vector<1x2048xi32>
    %broadcast_in_dim3A_158 = vector.broadcast %broadcast_in_dim3A_157 : vector<1x2048xi32> to vector<208x2048xi32>
    %broadcast_in_dim3A_159 = vector.broadcast %jit3A_156 : i32 to vector<208x2048xi32>
    %select_n3A_160 = arith.select %eq3A_155, %broadcast_in_dim3A_158, %broadcast_in_dim3A_159 : vector<208x2048xi1>, vector<208x2048xi32>
    %reduce_sum3A_161 = arith.constant dense<0> : vector<208xi32>
    %reduce_sum3A_162 = vector.multi_reduction <add>, %select_n3A_160, %reduce_sum3A_161 [1] : vector<208x2048xi32> to vector<208xi32>
    %add3A_163 = arith.constant 0 : i32
    %add3A_164 = vector.broadcast %add3A_163 : i32 to vector<208xi32>
    %add3A_165 = arith.addi %reduce_sum3A_162, %add3A_164 : vector<208xi32>
    %slice3A_166 = vector.extract_strided_slice %select_n3A_150 {offsets = [1, 0], sizes = [1, 2048], strides = [1, 1]} : vector<8x2048xi32> to vector<1x2048xi32>
    %eq3A_167 = vector.broadcast %slice3A_166 : vector<1x2048xi32> to vector<208x2048xi32>
    %eq3A_168 = vector.broadcast %iota3A_151 : vector<208x1xi32> to vector<208x2048xi32>
    %eq3A_169 = arith.cmpi eq, %eq3A_167, %eq3A_168 : vector<208x2048xi32>
    %jit3A_170 = arith.constant 0 : i32
    %broadcast_in_dim3A_171 = vector.shape_cast %iota3A : vector<1x2048xi32> to vector<1x2048xi32>
    %broadcast_in_dim3A_172 = vector.broadcast %broadcast_in_dim3A_171 : vector<1x2048xi32> to vector<208x2048xi32>
    %broadcast_in_dim3A_173 = vector.broadcast %jit3A_170 : i32 to vector<208x2048xi32>
    %select_n3A_174 = arith.select %eq3A_169, %broadcast_in_dim3A_172, %broadcast_in_dim3A_173 : vector<208x2048xi1>, vector<208x2048xi32>
    %reduce_sum3A_175 = arith.constant dense<0> : vector<208xi32>
    %reduce_sum3A_176 = vector.multi_reduction <add>, %select_n3A_174, %reduce_sum3A_175 [1] : vector<208x2048xi32> to vector<208xi32>
    %add3A_177 = arith.constant 2048 : i32
    %add3A_178 = vector.broadcast %add3A_177 : i32 to vector<208xi32>
    %add3A_179 = arith.addi %reduce_sum3A_176, %add3A_178 : vector<208xi32>
    %slice3A_180 = vector.extract_strided_slice %select_n3A_150 {offsets = [2, 0], sizes = [1, 2048], strides = [1, 1]} : vector<8x2048xi32> to vector<1x2048xi32>
    %eq3A_181 = vector.broadcast %slice3A_180 : vector<1x2048xi32> to vector<208x2048xi32>
    %eq3A_182 = vector.broadcast %iota3A_151 : vector<208x1xi32> to vector<208x2048xi32>
    %eq3A_183 = arith.cmpi eq, %eq3A_181, %eq3A_182 : vector<208x2048xi32>
    %jit3A_184 = arith.constant 0 : i32
    %broadcast_in_dim3A_185 = vector.shape_cast %iota3A : vector<1x2048xi32> to vector<1x2048xi32>
    %broadcast_in_dim3A_186 = vector.broadcast %broadcast_in_dim3A_185 : vector<1x2048xi32> to vector<208x2048xi32>
    %broadcast_in_dim3A_187 = vector.broadcast %jit3A_184 : i32 to vector<208x2048xi32>
    %select_n3A_188 = arith.select %eq3A_183, %broadcast_in_dim3A_186, %broadcast_in_dim3A_187 : vector<208x2048xi1>, vector<208x2048xi32>
    %reduce_sum3A_189 = arith.constant dense<0> : vector<208xi32>
    %reduce_sum3A_190 = vector.multi_reduction <add>, %select_n3A_188, %reduce_sum3A_189 [1] : vector<208x2048xi32> to vector<208xi32>
    %add3A_191 = arith.constant 4096 : i32
    %add3A_192 = vector.broadcast %add3A_191 : i32 to vector<208xi32>
    %add3A_193 = arith.addi %reduce_sum3A_190, %add3A_192 : vector<208xi32>
    %slice3A_194 = vector.extract_strided_slice %select_n3A_150 {offsets = [3, 0], sizes = [1, 2048], strides = [1, 1]} : vector<8x2048xi32> to vector<1x2048xi32>
    %eq3A_195 = vector.broadcast %slice3A_194 : vector<1x2048xi32> to vector<208x2048xi32>
    %eq3A_196 = vector.broadcast %iota3A_151 : vector<208x1xi32> to vector<208x2048xi32>
    %eq3A_197 = arith.cmpi eq, %eq3A_195, %eq3A_196 : vector<208x2048xi32>
    %jit3A_198 = arith.constant 0 : i32
    %broadcast_in_dim3A_199 = vector.shape_cast %iota3A : vector<1x2048xi32> to vector<1x2048xi32>
    %broadcast_in_dim3A_200 = vector.broadcast %broadcast_in_dim3A_199 : vector<1x2048xi32> to vector<208x2048xi32>
    %broadcast_in_dim3A_201 = vector.broadcast %jit3A_198 : i32 to vector<208x2048xi32>
    %select_n3A_202 = arith.select %eq3A_197, %broadcast_in_dim3A_200, %broadcast_in_dim3A_201 : vector<208x2048xi1>, vector<208x2048xi32>
    %reduce_sum3A_203 = arith.constant dense<0> : vector<208xi32>
    %reduce_sum3A_204 = vector.multi_reduction <add>, %select_n3A_202, %reduce_sum3A_203 [1] : vector<208x2048xi32> to vector<208xi32>
    %add3A_205 = arith.constant 6144 : i32
    %add3A_206 = vector.broadcast %add3A_205 : i32 to vector<208xi32>
    %add3A_207 = arith.addi %reduce_sum3A_204, %add3A_206 : vector<208xi32>
    %slice3A_208 = vector.extract_strided_slice %select_n3A_150 {offsets = [4, 0], sizes = [1, 2048], strides = [1, 1]} : vector<8x2048xi32> to vector<1x2048xi32>
    %eq3A_209 = vector.broadcast %slice3A_208 : vector<1x2048xi32> to vector<208x2048xi32>
    %eq3A_210 = vector.broadcast %iota3A_151 : vector<208x1xi32> to vector<208x2048xi32>
    %eq3A_211 = arith.cmpi eq, %eq3A_209, %eq3A_210 : vector<208x2048xi32>
    %jit3A_212 = arith.constant 0 : i32
    %broadcast_in_dim3A_213 = vector.shape_cast %iota3A : vector<1x2048xi32> to vector<1x2048xi32>
    %broadcast_in_dim3A_214 = vector.broadcast %broadcast_in_dim3A_213 : vector<1x2048xi32> to vector<208x2048xi32>
    %broadcast_in_dim3A_215 = vector.broadcast %jit3A_212 : i32 to vector<208x2048xi32>
    %select_n3A_216 = arith.select %eq3A_211, %broadcast_in_dim3A_214, %broadcast_in_dim3A_215 : vector<208x2048xi1>, vector<208x2048xi32>
    %reduce_sum3A_217 = arith.constant dense<0> : vector<208xi32>
    %reduce_sum3A_218 = vector.multi_reduction <add>, %select_n3A_216, %reduce_sum3A_217 [1] : vector<208x2048xi32> to vector<208xi32>
    %add3A_219 = arith.constant 8192 : i32
    %add3A_220 = vector.broadcast %add3A_219 : i32 to vector<208xi32>
    %add3A_221 = arith.addi %reduce_sum3A_218, %add3A_220 : vector<208xi32>
    %slice3A_222 = vector.extract_strided_slice %select_n3A_150 {offsets = [5, 0], sizes = [1, 2048], strides = [1, 1]} : vector<8x2048xi32> to vector<1x2048xi32>
    %eq3A_223 = vector.broadcast %slice3A_222 : vector<1x2048xi32> to vector<208x2048xi32>
    %eq3A_224 = vector.broadcast %iota3A_151 : vector<208x1xi32> to vector<208x2048xi32>
    %eq3A_225 = arith.cmpi eq, %eq3A_223, %eq3A_224 : vector<208x2048xi32>
    %jit3A_226 = arith.constant 0 : i32
    %broadcast_in_dim3A_227 = vector.shape_cast %iota3A : vector<1x2048xi32> to vector<1x2048xi32>
    %broadcast_in_dim3A_228 = vector.broadcast %broadcast_in_dim3A_227 : vector<1x2048xi32> to vector<208x2048xi32>
    %broadcast_in_dim3A_229 = vector.broadcast %jit3A_226 : i32 to vector<208x2048xi32>
    %select_n3A_230 = arith.select %eq3A_225, %broadcast_in_dim3A_228, %broadcast_in_dim3A_229 : vector<208x2048xi1>, vector<208x2048xi32>
    %reduce_sum3A_231 = arith.constant dense<0> : vector<208xi32>
    %reduce_sum3A_232 = vector.multi_reduction <add>, %select_n3A_230, %reduce_sum3A_231 [1] : vector<208x2048xi32> to vector<208xi32>
    %add3A_233 = arith.constant 10240 : i32
    %add3A_234 = vector.broadcast %add3A_233 : i32 to vector<208xi32>
    %add3A_235 = arith.addi %reduce_sum3A_232, %add3A_234 : vector<208xi32>
    %slice3A_236 = vector.extract_strided_slice %select_n3A_150 {offsets = [6, 0], sizes = [1, 2048], strides = [1, 1]} : vector<8x2048xi32> to vector<1x2048xi32>
    %eq3A_237 = vector.broadcast %slice3A_236 : vector<1x2048xi32> to vector<208x2048xi32>
    %eq3A_238 = vector.broadcast %iota3A_151 : vector<208x1xi32> to vector<208x2048xi32>
    %eq3A_239 = arith.cmpi eq, %eq3A_237, %eq3A_238 : vector<208x2048xi32>
    %jit3A_240 = arith.constant 0 : i32
    %broadcast_in_dim3A_241 = vector.shape_cast %iota3A : vector<1x2048xi32> to vector<1x2048xi32>
    %broadcast_in_dim3A_242 = vector.broadcast %broadcast_in_dim3A_241 : vector<1x2048xi32> to vector<208x2048xi32>
    %broadcast_in_dim3A_243 = vector.broadcast %jit3A_240 : i32 to vector<208x2048xi32>
    %select_n3A_244 = arith.select %eq3A_239, %broadcast_in_dim3A_242, %broadcast_in_dim3A_243 : vector<208x2048xi1>, vector<208x2048xi32>
    %reduce_sum3A_245 = arith.constant dense<0> : vector<208xi32>
    %reduce_sum3A_246 = vector.multi_reduction <add>, %select_n3A_244, %reduce_sum3A_245 [1] : vector<208x2048xi32> to vector<208xi32>
    %add3A_247 = arith.constant 12288 : i32
    %add3A_248 = vector.broadcast %add3A_247 : i32 to vector<208xi32>
    %add3A_249 = arith.addi %reduce_sum3A_246, %add3A_248 : vector<208xi32>
    %slice3A_250 = vector.extract_strided_slice %select_n3A_150 {offsets = [7, 0], sizes = [1, 2048], strides = [1, 1]} : vector<8x2048xi32> to vector<1x2048xi32>
    %eq3A_251 = vector.broadcast %slice3A_250 : vector<1x2048xi32> to vector<208x2048xi32>
    %eq3A_252 = vector.broadcast %iota3A_151 : vector<208x1xi32> to vector<208x2048xi32>
    %eq3A_253 = arith.cmpi eq, %eq3A_251, %eq3A_252 : vector<208x2048xi32>
    %jit3A_254 = arith.constant 0 : i32
    %broadcast_in_dim3A_255 = vector.shape_cast %iota3A : vector<1x2048xi32> to vector<1x2048xi32>
    %broadcast_in_dim3A_256 = vector.broadcast %broadcast_in_dim3A_255 : vector<1x2048xi32> to vector<208x2048xi32>
    %broadcast_in_dim3A_257 = vector.broadcast %jit3A_254 : i32 to vector<208x2048xi32>
    %select_n3A_258 = arith.select %eq3A_253, %broadcast_in_dim3A_256, %broadcast_in_dim3A_257 : vector<208x2048xi1>, vector<208x2048xi32>
    %reduce_sum3A_259 = arith.constant dense<0> : vector<208xi32>
    %reduce_sum3A_260 = vector.multi_reduction <add>, %select_n3A_258, %reduce_sum3A_259 [1] : vector<208x2048xi32> to vector<208xi32>
    %add3A_261 = arith.constant 14336 : i32
    %add3A_262 = vector.broadcast %add3A_261 : i32 to vector<208xi32>
    %add3A_263 = arith.addi %reduce_sum3A_260, %add3A_262 : vector<208xi32>
    %stack3A = vector.shape_cast %add3A_165 : vector<208xi32> to vector<1x208xi32>
    %stack3A_264 = vector.shape_cast %add3A_179 : vector<208xi32> to vector<1x208xi32>
    %stack3A_265 = vector.shape_cast %add3A_193 : vector<208xi32> to vector<1x208xi32>
    %stack3A_266 = vector.shape_cast %add3A_207 : vector<208xi32> to vector<1x208xi32>
    %stack3A_267 = vector.shape_cast %add3A_221 : vector<208xi32> to vector<1x208xi32>
    %stack3A_268 = vector.shape_cast %add3A_235 : vector<208xi32> to vector<1x208xi32>
    %stack3A_269 = vector.shape_cast %add3A_249 : vector<208xi32> to vector<1x208xi32>
    %stack3A_270 = vector.shape_cast %add3A_263 : vector<208xi32> to vector<1x208xi32>
    %stack3A_271 = tpu.concatenate %stack3A, %stack3A_264, %stack3A_265, %stack3A_266, %stack3A_267, %stack3A_268, %stack3A_269, %stack3A_270 in 0 : vector<1x208xi32>, vector<1x208xi32>, vector<1x208xi32>, vector<1x208xi32>, vector<1x208xi32>, vector<1x208xi32>, vector<1x208xi32>, vector<1x208xi32> -> vector<8x208xi32>
    %swap3A_272 = arith.constant 0 : index
    %swap3A_273 = arith.constant 0 : index
    %swap3A_274 = vector.load %arg3[%swap3A_272, %swap3A_273] : memref<8x208xi32, #tpu.memory_space<vmem>>, vector<8x208xi32>
    tpu.vector_store %arg3[%swap3A_272, %swap3A_273], %stack3A_271 {strides = array<i32>} : memref<8x208xi32, #tpu.memory_space<vmem>>, vector<8x208xi32>,
    return
  }
  func.func @transform_0(%arg0: i32) -> (i32, i32) {
    %c0_i32 = arith.constant 0 : i32
    %c0_i32_0 = arith.constant 0 : i32
    %c0_i32_1 = arith.constant 0 : i32
    return %c0_i32, %c0_i32_0 : i32, i32
  }
  func.func @transform_1(%arg0: i32) -> (i32, i32) {
    %c0_i32 = arith.constant 0 : i32
    %c0_i32_0 = arith.constant 0 : i32
    %c0_i32_1 = arith.constant 0 : i32
    return %c0_i32, %c0_i32_0 : i32, i32
  }
  func.func @transform_2(%arg0: i32) -> (i32, i32) {
    %c0_i32 = arith.constant 0 : i32
    %c0_i32_0 = arith.constant 0 : i32
    %c0_i32_1 = arith.constant 0 : i32
    return %c0_i32, %c0_i32_0 : i32, i32
  }
}

</mosaic_0001>

<sc_bundles>
// kernel: kernel.5.cloned.1.call-start
scs
__scs_entry_jumppad:
0x0: {  	(pc) =	sbr.rel $0x88, $3  }
0x1: {  	(tag) =	ssettag $0x0;
	lr =	simm.s32 $0x1  }
0x2: {  	[smem:$0x3F98] =	sst lr;
	_ =	strace $0xD0000000  }
0x3: {  	_ = 	snop  }
0x4: {  	_ = 	snop  }
0x5: {  	_ = 	snop  }
0x6: {  	_ = 	snop  }
0x7: {  	_ = 	snop  }
__scs_overlays_trampoline_lowered:
0x8: {  	[smem:$0x3FA7] =	sst s0  }
0x9: {  	[smem:$0x3FA8] =	sst s1  }
0xa: {  	[smem:$0x3FA9] =	sst s2  }
0xb: {  	[smem:$0x3FAA] =	sst s3  }
0xc: {  	[smem:$0x3FAB] =	sst s4  }
0xd: {  	[smem:$0x3FAC] =	sst s5  }
0xe: {  	[smem:$0x3FAD] =	sst s6  }
0xf: {  	[smem:$0x3FAE] =	sst s7  }
0x10: {  	[smem:$0x3FAF] =	sst s8  }
0x11: {  	[smem:$0x3FB0] =	sst s9;
	s0 =	simm.s32 @!p0 $0x0  }
0x12: {  	s1 =	sld [smem:$0x3F96];
	s0 =	simm.s32 @p0 $0x1  }
0x13: {  	[smem:$0x3FB1] =	sst s0;
	s0 =	simm.s32 @!p1 $0x0  }
0x14: {  	s2 =	sld [smem:$0x3F95];
	s0 =	simm.s32 @p1 $0x1  }
0x15: {  	[smem:$0x3FB2] =	sst s0;
	s0 =	simm.s32 @!p2 $0x0  }
0x16: {  	s3 =	sld [smem:$0x3FDB];
	s0 =	simm.s32 @p2 $0x1  }
0x17: {  	s4 =	simm.s32 $0x1BF5;
	[smem:$0x3FB4] =	sst s0  }
0x18: {  	s0 =	sld [smem:$0x3F97];
	_ =	swait.ge [sflag:s4], $0x0  }
0x19: {  	s7 =	sld [smem:$0x3F98]  }
0x1a: {  	s8 =	sadd.s32 $0xFFFFE003, lr  }
0x1b: {  	s9 =	sadd.s32 $0xFFFFFEF7, lr;
	s5 =	simm.s32 $0xFFFFFFFF;
	p2 =	slt.u32 s8, $0xFFFFF086  }
0x1c: {  	p1 =	slt.u32 s9, $0xF7A;
	s5 =	simm.s32 @!p2 $0x0  }
0x1d: {  	s5 =	simm.s32 @p1 $0x1;
	p0 =	seq.s32 s7, s2  }
0x1e: {  	s7 =	smul.u32 @!p0 $0xF7A, s2;
	p2 =	seq.s32 @!p0 s5, $0x0  }
0x1f: {  	s9 =	smul.u32 $0xF7A, s1;
	s8 =	simm.s32 @!p0 $0x1BF5;
	p2 =	por !p2, p0  }
0x20: {  	[sflag:s8] =	ssyncset.s32 @!p0 $0xFFFFF086;
	s6 =	sadd.s32 @!p0 s3, s7;
	s7 =	simm.s32 @!p0 $0x108  }
0x21: {  	s3 =	sadd.s32 s3, s9;
	s6 =	sadd.s32 @!p0 $0x88, s6;
	s7 =	simm.s32 @p2 $0x1082  }
0x22: {  	[simem:s7], [sflag:s8] =	dma.local @!p0 [hbm:s6], $0xF7A  }
0x23: {  	s9 =	sor.u32 $0xD0000000, s2;
	s6 =	simm.s32 $0x108;
	_ =	swait.ge @!p0 [sflag:s8], $0x0  }
0x24: {  	s3 =	sadd.s32 $0x88, s3;
	s6 =	simm.s32 @!p1 $0x1082;
	[sflag:s4] =	ssyncset.s32 $0xFFFFF086  }
0x25: {  	[simem:s6], [sflag:s4] =	dma.local [hbm:s3], $0xF7A  }
0x26: {  	[smem:$0x3F98] =	sst s1;
	(tag) =	ssettag s2;
	_ =	strace s9  }
0x27: {  	s1 =	sld [smem:$0x3FA8]  }
0x28: {  	s2 =	sld [smem:$0x3FA9]  }
0x29: {  	s4 =	sld [smem:$0x3FAB]  }
0x2a: {  	p0 =	seq.s32 s5, $0x0;
	s5 =	sld [smem:$0x3FAC]  }
0x2b: {  	s6 =	sld [smem:$0x3FAD]  }
0x2c: {  	s7 =	sld [smem:$0x3FAE]  }
0x2d: {  	s3 =	simm.s32 $0x108;
	s8 =	sld [smem:$0x3FAF]  }
0x2e: {  	s3 =	simm.s32 @!p0 $0x1082;
	s9 =	sld [smem:$0x3FB0]  }
0x2f: {  	lr =	sadd.s32 s0, s3;
	s0 =	sld [smem:$0x3FA7]  }
0x30: {  	s3 =	sld [smem:$0x3FAA]  }
0x31: {  	[smem:$0x3FB3] =	sst s10  }
0x32: {  	s10 =	sld [smem:$0x3FB1];
	_ =	sdelay $0x3  }
0x33: {  	p0 =	seq.s32 s10, $0x1;
	s10 =	sld [smem:$0x3FB3];
	_ =	sdelay $0x3  }
0x34: {  	[smem:$0x3FB3] =	sst s10  }
0x35: {  	s10 =	sld [smem:$0x3FB2];
	_ =	sdelay $0x3  }
0x36: {  	p1 =	seq.s32 s10, $0x1;
	s10 =	sld [smem:$0x3FB3];
	_ =	sdelay $0x3  }
0x37: {  	[smem:$0x3FB3] =	sst s10  }
0x38: {  	s10 =	sld [smem:$0x3FB4]  }
0x39: {  	_ = 	snop;
	(pc) =	sbr.ind lr, $3  }
0x3a: {  	_ = 	snop  }
0x3b: {  	_ = 	snop  }
0x3c: {  	p2 =	seq.s32 s10, $0x1;
	s10 =	sld [smem:$0x3FB3]  }
0x3d: {  	_ =	shalt  }
0x3e: {  	_ =	shalt  }
0x3f: {  	_ =	shalt  }
0x40: {  	_ =	shalt  }
0x41: {  	_ =	shalt  }
0x42: {  	_ =	shalt  }
0x43: {  	_ =	shalt  }
0x44: {  	_ =	shalt  }
0x45: {  	_ =	shalt  }
0x46: {  	_ =	shalt  }
0x47: {  	_ =	shalt  }
0x48: {  	_ =	shalt  }
0x49: {  	_ =	shalt  }
0x4a: {  	_ =	shalt  }
0x4b: {  	_ =	shalt  }
0x4c: {  	_ =	shalt  }
0x4d: {  	_ =	shalt  }
0x4e: {  	_ =	shalt  }
0x4f: {  	_ =	shalt  }
0x50: {  	_ =	shalt  }
0x51: {  	_ =	shalt  }
0x52: {  	_ =	shalt  }
0x53: {  	_ =	shalt  }
0x54: {  	_ =	shalt  }
0x55: {  	_ =	shalt  }
0x56: {  	_ =	shalt  }
0x57: {  	_ =	shalt  }
0x58: {  	_ =	shalt  }
0x59: {  	_ =	shalt  }
0x5a: {  	_ =	shalt  }
0x5b: {  	_ =	shalt  }
0x5c: {  	_ =	shalt  }
0x5d: {  	_ =	shalt  }
0x5e: {  	_ =	shalt  }
0x5f: {  	_ =	shalt  }
0x60: {  	_ =	shalt  }
0x61: {  	_ =	shalt  }
0x62: {  	_ =	shalt  }
0x63: {  	_ =	shalt  }
0x64: {  	_ =	shalt  }
0x65: {  	_ =	shalt  }
0x66: {  	_ =	shalt  }
0x67: {  	_ =	shalt  }
0x68: {  	_ =	shalt  }
0x69: {  	_ =	shalt  }
0x6a: {  	_ =	shalt  }
0x6b: {  	_ =	shalt  }
0x6c: {  	_ =	shalt  }
0x6d: {  	_ =	shalt  }
0x6e: {  	_ =	shalt  }
0x6f: {  	_ =	shalt  }
0x70: {  	_ =	shalt  }
0x71: {  	_ =	shalt  }
0x72: {  	_ =	shalt  }
0x73: {  	_ =	shalt  }
0x74: {  	_ =	shalt  }
0x75: {  	_ =	shalt  }
0x76: {  	_ =	shalt  }
0x77: {  	_ =	shalt  }
0x78: {  	_ =	shalt  }
0x79: {  	_ =	shalt  }
0x7a: {  	_ =	shalt  }
0x7b: {  	_ =	shalt  }
0x7c: {  	_ =	shalt  }
0x7d: {  	_ =	shalt  }
0x7e: {  	_ =	shalt  }
0x7f: {  	_ =	shalt  }
0x80: {  	_ =	shalt  }
0x81: {  	_ =	shalt  }
0x82: {  	_ =	shalt  }
0x83: {  	_ =	shalt  }
0x84: {  	_ =	shalt  }
0x85: {  	_ =	shalt  }
0x86: {  	_ =	shalt  }
0x87: {  	_ =	shalt  }
.Lfunc_end0:
.L_simem_size_0:
called_computation_lowered:
.L_overlay_start_0:
0x88: {  	s2 =	sld [smem:$0x3FD9]  }
0x89: {  	s3 =	sld [smem:$0x3FFE];
	_ =	sdelay $0x1  }
0x8a: {  	s1 =	srdreg.scid  }
0x8b: {  	s0 =	sand.u32 $0x1, s1  }
0x8c: {  	s14 =	sshll.u32 s0, $0xA;
	s2 =	sadd.s32 s3, s2  }
0x8d: {  	s2 =	sadd.s32 s2, s14  }
0x8e: {  	[smem:$0x3FBF] =	sst s2  }
0x8f: {  	_ = 	snop  }
0x90: {  	s2 =	sld [smem:$0x3FD0];
	_ =	sdelay $0x2  }
0x91: {  	s15 =	simm.s32 $0xA;
	s4 =	simm.s32 $0x10  }
0x92: {  	[smem:s4], [sflag:s15] =	dma.local [hbm:s2], $0x1  }
0x93: {  	_ =	swait.eq [sflag:s15], $0x1  }
0x94: {  	[sflag:s15] =	ssyncset.done $0x0  }
0x95: {  	s16 =	sld [smem:$0x10];
	[sflag:s15] =	ssyncadd.s32 $0xFFFFFFFF  }
0x96: {  	s17 =	sld [smem:$0x11];
	(tm) =	ssettm $0x1  }
0x97: {  	s18 =	sld [smem:$0x3FFB];
	_ =	sdelay $0x3  }
0x98: {  	_ =	strace s18  }
0x99: {  	s4 =	sld [smem:$0x3FFC];
	_ =	sdelay $0x3  }
0x9a: {  	_ =	strace s4  }
0x9b: {  	s4 =	sld [smem:$0x3FFD];
	_ =	sdelay $0x3  }
0x9c: {  	_ =	strace s4  }
0x9d: {  	_ =	strace $0x8FFFFFFF  }
0x9e: {  	s19 =	sld [smem:$0x3FDB];
	_ =	sdelay $0x1  }
0x9f: {  	s5 =	simm.s32 $_scs_section_size  }
0xa0: {  	s6 =	simm.s32 $_size__tile_overlayer_lowered;
	s7 =	simm.s32 $_tile_overlayer_lowered  }
0xa1: {  	s22 =	simm.s32 $0x1BFF;
	s21 =	sshll.u32 s7, $0x1;
	s4 =	sadd.s32 s5, s19  }
0xa2: {  	s8 =	simm.s32 $0x0;
	s20 =	sshll.u32 s6, $0x1;
	s6 =	sadd.s32 s21, s4  }
0xa3: {  	[timem:s8], [sflag:s22] =	dma.local [hbm:s6], s20  }
0xa4: {  	_ =	swait.ge [sflag:s22], s20  }
0xa5: {  	s5 =	ssub.s32 $0x0, s20;
	[sflag:s22] =	ssyncset.done $0x0  }
0xa6: {  	[sflag:s22] =	ssyncadd.s32 s5;
	_ =	sdelay $0x1  }
0xa7: {  	s23 =	simm.s32 $0x1B8B  }
0xa8: {  	_ =	swait.ge [sflag:s23], $0x1  }
0xa9: {  	[sflag:s23] =	ssyncset.done $0x0  }
0xaa: {  	s25 =	simm.s32 $0x1B8E;
	s24 =	sld [smem:$0x3FFE];
	[sflag:s23] =	ssyncadd.s32 $0xFFFFFFFF  }
0xab: {  	s26 =	simm.s32 $execute0_lowered;
	[smem:$0x3FD2] =	sst s25  }
0xac: {  	s6 =	sshll.u32 s26, $0x1;
	_ =	strace $0x80000046;
	[dreg:$0x1] =	wrdreg $0xFFFFFFFF  }
0xad: {  	s28 =	simm.s32 $_size_execute0_lowered;
	s4 =	sadd.s32 s4, s6;
	[dreg:$0x0] =	wrdreg $0x0  }
0xae: {  	s6 =	sshll.u32 s28, $0x1;
	[dreg:$0x2] =	wrdreg s4  }
0xaf: {  	[dreg:$0x3] =	wrdreg s6  }
0xb0: {  	[dreg:$0x4] =	wrdreg $0xC0  }
0xb1: {  	_ =	task [dreg:s8], $0x5FFFF  }
0xb2: {  	[dreg:$0x1] =	wrdreg $0xFFFFFFFF  }
0xb3: {  	[dreg:$0x0] =	wrdreg $0x60  }
0xb4: {  	[dreg:$0x2] =	wrdreg s24  }
0xb5: {  	[dreg:$0x3] =	wrdreg s17  }
0xb6: {  	[dreg:$0x4] =	wrdreg s16  }
0xb7: {  	[dreg:$0x5] =	wrdreg $0x9  }
0xb8: {  	_ =	task.clear_ibuf [dreg:s8], $0x6FFFF;
	_ =	strace $0x90000046  }
0xb9: {  	s29 =	simm.s32 $0x9;
	_ =	strace $0x80000048  }
0xba: {  	_ =	swait.ge [sflag:s29], $0x1  }
0xbb: {  	[sflag:s29] =	ssyncadd.s32 $0xFFFFFFFF  }
0xbc: {  	_ =	strace $0x90000048  }
0xbd: {  	_ =	sfence  }
0xbe: {  	s30 =	sld [smem:$0x0];
	_ =	sdelay $0x2  }
0xbf: {  	s31 =	sshll.u32 s1, $0xD;
	s1 =	sshrl.u32 s1, $0x2  }
0xc0: {  	s3 =	sand.u32 $0x4000, s31;
	s1 =	sadd.s32 s1, s30  }
0xc1: {  	s0 =	sor.u32 s3, s0;
	s1 =	sshll.u32 s1, $0x11  }
0xc2: {  	s0 =	sor.u32 s1, s0  }
0xc3: {  	s0 =	sadd.s32 $0x8F2B, s0  }
0xc4: {  	[sflag:s0] =	ssyncadd.remote.s32 $0x1  }
0xc5: {  	_ =	sfence.sel $0xFFFF  }
0xc6: {  	[dreg:$0x0] =	wrdreg $0xFFFFFFFF;
	(pc) =	sbr.abs _section_cstart, $3  }
0xc7: {  	[dreg:$0x1] =	wrdreg $0xFFFFFFFF  }
0xc8: {  	_ =	task.clear_ibuf [dreg:s8], $0x2FFFF;
	_ =	strace $0x9FFFFFFF  }
0xc9: {  	(tm) =	ssettm $0x7FFFFFFF  }
tec
execute0_lowered:
.L_overlay_start_1:
0x0: {  	(tag) =	ssettag $0x1  }
0x1: {  	s4 =	stileid.u32  }
0x2: {  	p0 =	sgt.u32 s4, $0x3  }
.Ltmp0:
0x3: {  	_ = 	snop;
	(pc) =	sbr.rel @p0 .LBB2_7-.Ltmp0, $4  }
0x4: {  	s1 =	rddreg [dreg:$0x0]  }
0x5: {  	s2 =	rddreg [dreg:$0x1];
	s3 =	simm.s32 $0x0  }
0x6: {  	[smem:$0x7FF] =	sst s3  }
0x7: {  	s0 =	rddreg [dreg:$0x2];
	_ =	strace $0x80000047  }
0x8: {  	s4 =	srdreg.scid;
	s22 =	stileid.u32;
	s1 =	sadd.s32 $0x1000, s1  }
0x9: {  	s9 =	simm.s32 $0x80;
	s28 =	simm.s32 $0x8900;
	s29 =	simm.s32 $0x9100  }
0xa: {  	s30 =	simm.s32 $0x9900;
	s31 =	simm.s32 $0xA100;
	s10 =	simm.s32 $0xB900  }
0xb: {  	s11 =	simm.s32 $0xC100;
	s12 =	simm.s32 $0xC900;
	s13 =	simm.s32 $0x1  }
0xc: {  	s14 =	simm.s32 $0x2;
	s5 =	sand.u32 $0x1, s4;
	s4 =	sshll.u32 s22, $0x1  }
0xd: {  	s15 =	simm.s32 $0x400;
	s6 =	sor.u32 s5, s4;
	s8 =	ssub.s32 $0x2, s5  }
0xe: {  	s16 =	simm.s32 $0xD100;
	s24 =	sshll.u32 s6, $0x4;
	s25 =	sshrl.u32 s8, $0x1  }
0xf: {  	s7 =	smul.u32 $0xD0, s6;
	s5 =	sadd.s32 s0, s24;
	s26 =	ssub.s32 s8, s25  }
0x10: {  	v2 =	vlaneseq.u32;
	s8 =	simm.s32 $0x3;
	s24 =	simm.s32 $0x7100;
	s25 =	simm.s32 $0x7900  }
0x11: {  	v0 =	vand.u32 $0x7, v2;
	s0 =	simm.s32 $0xA900;
	s23 =	sadd.s32 $0x68, s7;
	s7 =	sshrl.u32 s7, $0x3  }
0x12: {  	v1 =	vshrl.u32 v2, $0x3;
	[tilespmem:$0x1FFE0] =	vst v0;
	v0 =	vor.u32 $0x8, v2;
	s4 =	sshrl.u32 s23, $0x3;
	s6 =	sadd.s32 s1, s7;
	s7 =	smax.u32 s26, $0x1  }
0x13: {  	vm0 =	vmmov $0xffff;
	v1 =	vmul.u32 $0x8, v1;
	[tilespmem:$0x1FFF0] =	vst v0;
	s26 =	simm.s32 $0x8100;
	s4 =	sadd.s32 s1, s4;
	s1 =	simm.s32 $0xB100  }
.LBB2_2:
0x14: {  	s17 =	simm.s32 $0x0  }
0x15: {  	[tilespmem:s17], [sflag:$0x3] =	stream.linear.gather [hbm4b:s6+s17], $0x68, $0x38;
	[tilespmem:$0xD200] =	vst v63  }
0x16: {  	_ =	swait.ge [sflag:s8], $0x68  }
0x17: {  	[sflag:s8] =	ssyncset.done $0x0  }
0x18: {  	[sflag:s8] =	ssyncadd.s32 $0xFFFFFF98  }
0x19: {  	[tilespmem:s9], [sflag:$0x3] =	stream.linear.gather [hbm4b:s4+s17], $0x68, $0x38;
	[tilespmem:$0xD200] =	vst v63  }
0x1a: {  	_ =	swait.ge [sflag:s8], $0x68  }
0x1b: {  	[sflag:s8] =	ssyncset.done $0x0  }
0x1c: {  	[sflag:s8] =	ssyncadd.s32 $0xFFFFFF98  }
0x1d: {  	v3 =	vld [tilespmem:$0x0];
	_ =	sdelay $0x2  }
0x1e: {  	v0 =	vld [tilespmem:$0x1FFE0];
	_ =	sdelay $0x1  }
0x1f: {  	v2 =	vld [tilespmem:$0x1FFF0];
	v4 =	vshll.u32 v3, $0x1  }
0x20: {  	v3 =	vand.u32 $0x7, v3;
	v4 =	vand.u32 $0xFFFFFFF0, v4  }
0x21: {  	v3 =	vor.u32 v3, v4  }
0x22: {  	v4 =	vperm.xlane v3, v0;
	_ =	sdelay $0x1  }
0x23: {  	v3 =	vperm.xlane v3, v2;
	v4 =	vadd.s32 v1, v4;
	_ =	sdelay $0x1  }
0x24: {  	v3 =	vadd.s32 v1, v3;
	_ =	sdelay $0x1  }
0x25: {  	s18 =	simm.s32 $0x100  }
0x26: {  	[tilespmem:s18], [sflag:$0x1] =	stream.indirect_vreg.gather [hbm4b:s2+s17], $0x80, v4, vm0, $0xb8;
	[tilespmem:$0xD200] =	vst v63  }
0x27: {  	s20 =	simm.s32 $0x900  }
0x28: {  	[tilespmem:s20], [sflag:$0x1] =	stream.indirect_vreg.gather [hbm4b:s2+s17], $0x80, v3, vm0, $0xb8;
	[tilespmem:$0xD200] =	vst v63  }
0x29: {  	v3 =	vld [tilespmem:$0x10];
	_ =	sdelay $0x4  }
0x2a: {  	v4 =	vshll.u32 v3, $0x1  }
0x2b: {  	v3 =	vand.u32 $0x7, v3;
	v4 =	vand.u32 $0xFFFFFFF0, v4  }
0x2c: {  	v3 =	vor.u32 v3, v4  }
0x2d: {  	v4 =	vperm.xlane v3, v0;
	_ =	sdelay $0x1  }
0x2e: {  	v3 =	vperm.xlane v3, v2;
	v4 =	vadd.s32 v1, v4;
	_ =	sdelay $0x1  }
0x2f: {  	v3 =	vadd.s32 v1, v3;
	_ =	sdelay $0x1  }
0x30: {  	s21 =	simm.s32 $0x1100  }
0x31: {  	[tilespmem:s21], [sflag:$0x1] =	stream.indirect_vreg.gather [hbm4b:s2+s17], $0x80, v4, vm0, $0xb8;
	[tilespmem:$0xD200] =	vst v63  }
0x32: {  	s22 =	simm.s32 $0x1900  }
0x33: {  	[tilespmem:s22], [sflag:$0x1] =	stream.indirect_vreg.gather [hbm4b:s2+s17], $0x80, v3, vm0, $0xb8;
	[tilespmem:$0xD200] =	vst v63  }
0x34: {  	v3 =	vld [tilespmem:$0x20];
	_ =	sdelay $0x4  }
0x35: {  	v4 =	vshll.u32 v3, $0x1  }
0x36: {  	v3 =	vand.u32 $0x7, v3;
	v4 =	vand.u32 $0xFFFFFFF0, v4  }
0x37: {  	v3 =	vor.u32 v3, v4  }
0x38: {  	v4 =	vperm.xlane v3, v0;
	_ =	sdelay $0x1  }
0x39: {  	v3 =	vperm.xlane v3, v2;
	v4 =	vadd.s32 v1, v4;
	_ =	sdelay $0x1  }
0x3a: {  	v3 =	vadd.s32 v1, v3;
	_ =	sdelay $0x1  }
0x3b: {  	s23 =	simm.s32 $0x2100  }
0x3c: {  	[tilespmem:s23], [sflag:$0x1] =	stream.indirect_vreg.gather [hbm4b:s2+s17], $0x80, v4, vm0, $0xb8;
	[tilespmem:$0xD200] =	vst v63  }
0x3d: {  	s19 =	simm.s32 $0x2900  }
0x3e: {  	[tilespmem:s19], [sflag:$0x1] =	stream.indirect_vreg.gather [hbm4b:s2+s17], $0x80, v3, vm0, $0xb8;
	[tilespmem:$0xD200] =	vst v63  }
0x3f: {  	v3 =	vld [tilespmem:$0x30];
	_ =	sdelay $0x4  }
0x40: {  	v4 =	vshll.u32 v3, $0x1  }
0x41: {  	v3 =	vand.u32 $0x7, v3;
	v4 =	vand.u32 $0xFFFFFFF0, v4  }
0x42: {  	v3 =	vor.u32 v3, v4  }
0x43: {  	v4 =	vperm.xlane v3, v0;
	_ =	sdelay $0x1  }
0x44: {  	v3 =	vperm.xlane v3, v2;
	v4 =	vadd.s32 v1, v4;
	_ =	sdelay $0x1  }
0x45: {  	v3 =	vadd.s32 v1, v3;
	_ =	sdelay $0x1  }
0x46: {  	s20 =	simm.s32 $0x3100  }
0x47: {  	[tilespmem:s20], [sflag:$0x1] =	stream.indirect_vreg.gather [hbm4b:s2+s17], $0x80, v4, vm0, $0xb8;
	[tilespmem:$0xD200] =	vst v63  }
0x48: {  	s21 =	simm.s32 $0x3900  }
0x49: {  	[tilespmem:s21], [sflag:$0x1] =	stream.indirect_vreg.gather [hbm4b:s2+s17], $0x80, v3, vm0, $0xb8;
	[tilespmem:$0xD200] =	vst v63  }
0x4a: {  	v3 =	vld [tilespmem:$0x40];
	_ =	sdelay $0x4  }
0x4b: {  	v4 =	vshll.u32 v3, $0x1  }
0x4c: {  	v3 =	vand.u32 $0x7, v3;
	v4 =	vand.u32 $0xFFFFFFF0, v4  }
0x4d: {  	v3 =	vor.u32 v3, v4  }
0x4e: {  	v4 =	vperm.xlane v3, v0;
	_ =	sdelay $0x1  }
0x4f: {  	v3 =	vperm.xlane v3, v2;
	v4 =	vadd.s32 v1, v4;
	_ =	sdelay $0x1  }
0x50: {  	v3 =	vadd.s32 v1, v3;
	_ =	sdelay $0x1  }
0x51: {  	s22 =	simm.s32 $0x4100  }
0x52: {  	[tilespmem:s22], [sflag:$0x1] =	stream.indirect_vreg.gather [hbm4b:s2+s17], $0x80, v4, vm0, $0xb8;
	[tilespmem:$0xD200] =	vst v63  }
0x53: {  	s23 =	simm.s32 $0x4900  }
0x54: {  	[tilespmem:s23], [sflag:$0x1] =	stream.indirect_vreg.gather [hbm4b:s2+s17], $0x80, v3, vm0, $0xb8;
	[tilespmem:$0xD200] =	vst v63  }
0x55: {  	v3 =	vld [tilespmem:$0x50];
	_ =	sdelay $0x4  }
0x56: {  	v4 =	vshll.u32 v3, $0x1  }
0x57: {  	v3 =	vand.u32 $0x7, v3;
	v4 =	vand.u32 $0xFFFFFFF0, v4  }
0x58: {  	v3 =	vor.u32 v3, v4  }
0x59: {  	v4 =	vperm.xlane v3, v0;
	_ =	sdelay $0x1  }
0x5a: {  	v3 =	vperm.xlane v3, v2;
	v4 =	vadd.s32 v1, v4;
	_ =	sdelay $0x1  }
0x5b: {  	v3 =	vadd.s32 v1, v3;
	_ =	sdelay $0x1  }
0x5c: {  	s19 =	simm.s32 $0x5100  }
0x5d: {  	[tilespmem:s19], [sflag:$0x1] =	stream.indirect_vreg.gather [hbm4b:s2+s17], $0x80, v4, vm0, $0xb8;
	[tilespmem:$0xD200] =	vst v63  }
0x5e: {  	s20 =	simm.s32 $0x5900  }
0x5f: {  	[tilespmem:s20], [sflag:$0x1] =	stream.indirect_vreg.gather [hbm4b:s2+s17], $0x80, v3, vm0, $0xb8;
	[tilespmem:$0xD200] =	vst v63  }
0x60: {  	v3 =	vld.msk [tilespmem:$0x60], $0xff;
	_ =	sdelay $0x4  }
0x61: {  	v4 =	vshll.u32 v3, $0x1  }
0x62: {  	v3 =	vand.u32 $0x7, v3;
	v4 =	vand.u32 $0xFFFFFFF0, v4  }
0x63: {  	v3 =	vor.u32 v3, v4  }
0x64: {  	v3 =	vperm.xlane v3, v0;
	_ =	sdelay $0x1  }
0x65: {  	v3 =	vadd.s32 v1, v3;
	_ =	sdelay $0x3  }
0x66: {  	s21 =	simm.s32 $0x6100  }
0x67: {  	[tilespmem:s21], [sflag:$0x1] =	stream.indirect_vreg.gather [hbm4b:s2+s17], $0x80, v3, vm0, $0xb8;
	[tilespmem:$0xD200] =	vst v63  }
0x68: {  	v3 =	vld [tilespmem:$0x80];
	_ =	sdelay $0x4  }
0x69: {  	v4 =	vshll.u32 v3, $0x1  }
0x6a: {  	v3 =	vand.u32 $0x7, v3;
	v4 =	vand.u32 $0xFFFFFFF0, v4  }
0x6b: {  	v3 =	vor.u32 v3, v4  }
0x6c: {  	v4 =	vperm.xlane v3, v0;
	_ =	sdelay $0x1  }
0x6d: {  	v3 =	vperm.xlane v3, v2;
	v4 =	vadd.s32 v1, v4;
	_ =	sdelay $0x1  }
0x6e: {  	v3 =	vadd.s32 v1, v3;
	_ =	sdelay $0x1  }
0x6f: {  	s22 =	simm.s32 $0x6900  }
0x70: {  	[tilespmem:s22], [sflag:$0x2] =	stream.indirect_vreg.gather [hbm4b:s2+s17], $0x80, v4, vm0, $0xb8;
	[tilespmem:$0xD200] =	vst v63  }
0x71: {  	_ = 	snop  }
0x72: {  	[tilespmem:s24], [sflag:$0x2] =	stream.indirect_vreg.gather [hbm4b:s2+s17], $0x80, v3, vm0, $0xb8;
	[tilespmem:$0xD200] =	vst v63  }
0x73: {  	v3 =	vld [tilespmem:$0x90];
	_ =	sdelay $0x4  }
0x74: {  	v4 =	vshll.u32 v3, $0x1  }
0x75: {  	v3 =	vand.u32 $0x7, v3;
	v4 =	vand.u32 $0xFFFFFFF0, v4  }
0x76: {  	v3 =	vor.u32 v3, v4  }
0x77: {  	v4 =	vperm.xlane v3, v0;
	_ =	sdelay $0x1  }
0x78: {  	v3 =	vperm.xlane v3, v2;
	v4 =	vadd.s32 v1, v4;
	_ =	sdelay $0x1  }
0x79: {  	v3 =	vadd.s32 v1, v3;
	_ =	sdelay $0x2  }
0x7a: {  	[tilespmem:s25], [sflag:$0x2] =	stream.indirect_vreg.gather [hbm4b:s2+s17], $0x80, v4, vm0, $0xb8;
	[tilespmem:$0xD200] =	vst v63  }
0x7b: {  	_ = 	snop  }
0x7c: {  	[tilespmem:s26], [sflag:$0x2] =	stream.indirect_vreg.gather [hbm4b:s2+s17], $0x80, v3, vm0, $0xb8;
	[tilespmem:$0xD200] =	vst v63  }
0x7d: {  	v3 =	vld [tilespmem:$0xA0];
	_ =	sdelay $0x4  }
0x7e: {  	v4 =	vshll.u32 v3, $0x1  }
0x7f: {  	v3 =	vand.u32 $0x7, v3;
	v4 =	vand.u32 $0xFFFFFFF0, v4  }
0x80: {  	v3 =	vor.u32 v3, v4  }
0x81: {  	v4 =	vperm.xlane v3, v0;
	_ =	sdelay $0x1  }
0x82: {  	v3 =	vperm.xlane v3, v2;
	v4 =	vadd.s32 v1, v4;
	_ =	sdelay $0x1  }
0x83: {  	v3 =	vadd.s32 v1, v3;
	_ =	sdelay $0x2  }
0x84: {  	[tilespmem:s28], [sflag:$0x2] =	stream.indirect_vreg.gather [hbm4b:s2+s17], $0x80, v4, vm0, $0xb8;
	[tilespmem:$0xD200] =	vst v63  }
0x85: {  	_ = 	snop  }
0x86: {  	[tilespmem:s29], [sflag:$0x2] =	stream.indirect_vreg.gather [hbm4b:s2+s17], $0x80, v3, vm0, $0xb8;
	[tilespmem:$0xD200] =	vst v63  }
0x87: {  	v3 =	vld [tilespmem:$0xB0];
	_ =	sdelay $0x4  }
0x88: {  	v4 =	vshll.u32 v3, $0x1  }
0x89: {  	v3 =	vand.u32 $0x7, v3;
	v4 =	vand.u32 $0xFFFFFFF0, v4  }
0x8a: {  	v3 =	vor.u32 v3, v4  }
0x8b: {  	v4 =	vperm.xlane v3, v0;
	_ =	sdelay $0x1  }
0x8c: {  	v3 =	vperm.xlane v3, v2;
	v4 =	vadd.s32 v1, v4;
	_ =	sdelay $0x1  }
0x8d: {  	v3 =	vadd.s32 v1, v3;
	_ =	sdelay $0x2  }
0x8e: {  	[tilespmem:s30], [sflag:$0x2] =	stream.indirect_vreg.gather [hbm4b:s2+s17], $0x80, v4, vm0, $0xb8;
	[tilespmem:$0xD200] =	vst v63  }
0x8f: {  	_ = 	snop  }
0x90: {  	[tilespmem:s31], [sflag:$0x2] =	stream.indirect_vreg.gather [hbm4b:s2+s17], $0x80, v3, vm0, $0xb8;
	[tilespmem:$0xD200] =	vst v63  }
0x91: {  	v3 =	vld [tilespmem:$0xC0];
	_ =	sdelay $0x4  }
0x92: {  	v4 =	vshll.u32 v3, $0x1  }
0x93: {  	v3 =	vand.u32 $0x7, v3;
	v4 =	vand.u32 $0xFFFFFFF0, v4  }
0x94: {  	v3 =	vor.u32 v3, v4  }
0x95: {  	v4 =	vperm.xlane v3, v0;
	_ =	sdelay $0x1  }
0x96: {  	v3 =	vperm.xlane v3, v2;
	v4 =	vadd.s32 v1, v4;
	_ =	sdelay $0x1  }
0x97: {  	v3 =	vadd.s32 v1, v3;
	_ =	sdelay $0x2  }
0x98: {  	[tilespmem:s0], [sflag:$0x2] =	stream.indirect_vreg.gather [hbm4b:s2+s17], $0x80, v4, vm0, $0xb8;
	[tilespmem:$0xD200] =	vst v63  }
0x99: {  	_ = 	snop  }
0x9a: {  	[tilespmem:s1], [sflag:$0x2] =	stream.indirect_vreg.gather [hbm4b:s2+s17], $0x80, v3, vm0, $0xb8;
	[tilespmem:$0xD200] =	vst v63  }
0x9b: {  	v3 =	vld [tilespmem:$0xD0];
	_ =	sdelay $0x4  }
0x9c: {  	v4 =	vshll.u32 v3, $0x1  }
0x9d: {  	v3 =	vand.u32 $0x7, v3;
	v4 =	vand.u32 $0xFFFFFFF0, v4  }
0x9e: {  	v3 =	vor.u32 v3, v4  }
0x9f: {  	v4 =	vperm.xlane v3, v0;
	_ =	sdelay $0x1  }
0xa0: {  	v3 =	vperm.xlane v3, v2;
	v4 =	vadd.s32 v1, v4;
	_ =	sdelay $0x1  }
0xa1: {  	v3 =	vadd.s32 v1, v3;
	_ =	sdelay $0x2  }
0xa2: {  	[tilespmem:s10], [sflag:$0x2] =	stream.indirect_vreg.gather [hbm4b:s2+s17], $0x80, v4, vm0, $0xb8;
	[tilespmem:$0xD200] =	vst v63  }
0xa3: {  	_ = 	snop  }
0xa4: {  	[tilespmem:s11], [sflag:$0x2] =	stream.indirect_vreg.gather [hbm4b:s2+s17], $0x80, v3, vm0, $0xb8;
	[tilespmem:$0xD200] =	vst v63  }
0xa5: {  	v3 =	vld.msk [tilespmem:$0xE0], $0xff;
	_ =	sdelay $0x4  }
0xa6: {  	v4 =	vshll.u32 v3, $0x1  }
0xa7: {  	v3 =	vand.u32 $0x7, v3;
	v4 =	vand.u32 $0xFFFFFFF0, v4  }
0xa8: {  	v3 =	vor.u32 v3, v4  }
0xa9: {  	v3 =	vperm.xlane v3, v0;
	_ =	sdelay $0x1  }
0xaa: {  	v3 =	vadd.s32 v1, v3;
	_ =	sdelay $0x4  }
0xab: {  	[tilespmem:s12], [sflag:$0x2] =	stream.indirect_vreg.gather [hbm4b:s2+s17], $0x80, v3, vm0, $0xb8;
	[tilespmem:$0xD200] =	vst v63  }
0xac: {  	_ =	swait.ge [sflag:s13], $0x6800  }
0xad: {  	s23 =	sand.u32 $0x7800, s17;
	s19 =	sand.u32 $0x200, s17;
	[sflag:s13] =	ssyncset.done $0x0  }
0xae: {  	s18 =	sor.u32 s19, s23;
	[sflag:s13] =	ssyncadd.s32 $0xFFFF9800  }
0xaf: {  	v3 =	vld [tilespmem:s18+$0x280]  }
0xb0: {  	v4 =	vld [tilespmem:s18+$0x290]  }
0xb1: {  	v6 =	vld [tilespmem:s18+$0x2A0]  }
0xb2: {  	v7 =	vld [tilespmem:s18+$0x2B0]  }
0xb3: {  	v8 =	vld [tilespmem:s18+$0x2C0]  }
0xb4: {  	v9 =	vld [tilespmem:s18+$0x2D0]  }
0xb5: {  	v10 =	vld [tilespmem:s18+$0x2E0]  }
0xb6: {  	v12 =	vld [tilespmem:s18+$0x2F0]  }
0xb7: {  	v5 =	vld [tilespmem:s18+$0x200]  }
0xb8: {  	v13 =	vld [tilespmem:s18+$0x210]  }
0xb9: {  	v14 =	vld [tilespmem:s18+$0x220]  }
0xba: {  	v15 =	vld [tilespmem:s18+$0x230]  }
0xbb: {  	v16 =	vld [tilespmem:s18+$0x240]  }
0xbc: {  	v17 =	vld [tilespmem:s18+$0x250]  }
0xbd: {  	v18 =	vld [tilespmem:s18+$0x260]  }
0xbe: {  	v19 =	vld [tilespmem:s18+$0x270]  }
0xbf: {  	v21 =	vld [tilespmem:s18+$0x180]  }
0xc0: {  	v23 =	vld [tilespmem:s18+$0x190]  }
0xc1: {  	v24 =	vld [tilespmem:s18+$0x1A0]  }
0xc2: {  	v25 =	vld [tilespmem:s18+$0x1B0]  }
0xc3: {  	v33 =	vld [tilespmem:s18+$0x1C0]  }
0xc4: {  	v34 =	vld [tilespmem:s18+$0x1D0]  }
0xc5: {  	v35 =	vld [tilespmem:s18+$0x1E0]  }
0xc6: {  	v37 =	vld [tilespmem:s18+$0x1F0]  }
0xc7: {  	v20 =	vld [tilespmem:s18+$0x100]  }
0xc8: {  	v22 =	vld [tilespmem:s18+$0x110]  }
0xc9: {  	v26 =	vld [tilespmem:s18+$0x120]  }
0xca: {  	p0 =	por $0x0, $0x0;
	s19 =	simm.s32 $0x1;
	v29 =	vld [tilespmem:s18+$0x130]  }
0xcb: {  	s19 =	simm.s32 @!p0 $0x0;
	v36 =	vld [tilespmem:s18+$0x140]  }
0xcc: {  	s19 =	sshll.u32 s19, $0x9;
	v38 =	vld [tilespmem:s18+$0x150]  }
0xcd: {  	s21 =	sadd.s32 $0x0, s19;
	v39 =	vld [tilespmem:s18+$0x160]  }
0xce: {  	s19 =	sor.u32 $0x400, s21;
	v40 =	vld [tilespmem:s18+$0x170]  }
0xcf: {  	s20 =	sor.u32 $0x410, s21;
	v41 =	vld [tilespmem:s19+$0x100]  }
0xd0: {  	s22 =	sor.u32 $0x420, s21;
	v42 =	vld [tilespmem:s20+$0x100]  }
0xd1: {  	s23 =	sor.u32 $0x430, s21;
	v27 =	vld [tilespmem:s22+$0x100]  }
0xd2: {  	v11 =	vimm.f32 $0.0e+00;
	v28 =	vld [tilespmem:s23+$0x100];
	s19 =	sor.u32 $0x440, s21  }
0xd3: {  	s20 =	sor.u32 $0x450, s21;
	v30 =	vadd.f32 v20, v11;
	v20 =	vld [tilespmem:s19+$0x100]  }
0xd4: {  	s22 =	sor.u32 $0x460, s21;
	v31 =	vadd.f32 v22, v11;
	v26 =	vadd.f32 v26, v11;
	v22 =	vld [tilespmem:s20+$0x100]  }
0xd5: {  	s23 =	sor.u32 $0x470, s21;
	v29 =	vadd.f32 v29, v11;
	s19 =	sadd.s32 $0x180, s21;
	v30 =	vadd.f32 v21, v30;
	v21 =	vld [tilespmem:s22+$0x100]  }
0xd6: {  	s20 =	sor.u32 $0x400, s19;
	v23 =	vadd.f32 v23, v31;
	v26 =	vadd.f32 v24, v26;
	v24 =	vld [tilespmem:s23+$0x100]  }
0xd7: {  	v25 =	vadd.f32 v25, v29;
	v29 =	vld [tilespmem:s20+$0x100];
	s23 =	sor.u32 $0x420, s19;
	v5 =	vadd.f32 v5, v30  }
0xd8: {  	s20 =	sor.u32 $0x430, s19;
	v31 =	vld [tilespmem:s23+$0x100];
	v13 =	vadd.f32 v13, v23;
	v14 =	vadd.f32 v14, v26  }
0xd9: {  	s22 =	sor.u32 $0x410, s19;
	v32 =	vld [tilespmem:s20+$0x100];
	v15 =	vadd.f32 v15, v25;
	v3 =	vadd.f32 v3, v5  }
0xda: {  	s23 =	sor.u32 $0x450, s19;
	v30 =	vld [tilespmem:s22+$0x100];
	v5 =	vadd.f32 v4, v13;
	v4 =	vadd.f32 v6, v14  }
0xdb: {  	s20 =	sadd.s32 $0x100, s21;
	s22 =	sor.u32 $0x440, s19;
	v26 =	vld [tilespmem:s23+$0x100];
	v6 =	vadd.f32 v7, v15;
	v7 =	vadd.f32 v36, v11  }
0xdc: {  	v62 =	vadd.f32 v38, v11;
	s21 =	sadd.s32 $0x80, s21;
	v25 =	vld [tilespmem:s22+$0x100];
	s22 =	sor.u32 $0x400, s20;
	v15 =	vadd.f32 v40, v11  }
0xdd: {  	v63 =	vadd.f32 v39, v11;
	s23 =	sor.u32 $0x400, s21;
	v7 =	vadd.f32 v33, v7;
	v33 =	vld [tilespmem:s22+$0x100]  }
0xde: {  	v13 =	vadd.f32 v34, v62;
	s22 =	sor.u32 $0x410, s20;
	v15 =	vadd.f32 v37, v15;
	v37 =	vld [tilespmem:s23+$0x100]  }
0xdf: {  	v41 =	vadd.f32 v41, v11;
	v14 =	vadd.f32 v35, v63;
	s23 =	sor.u32 $0x420, s21;
	v36 =	vld [tilespmem:s22+$0x100]  }
0xe0: {  	v42 =	vadd.f32 v42, v11;
	v13 =	vadd.f32 v17, v13;
	s22 =	sor.u32 $0x410, s21;
	v39 =	vld [tilespmem:s23+$0x100]  }
0xe1: {  	v23 =	vimm.f32 $0.0e+00;
	v14 =	vadd.f32 v18, v14;
	v7 =	vadd.f32 v16, v7;
	v38 =	vld [tilespmem:s22+$0x100];
	s22 =	sor.u32 $0x430, s21  }
0xe2: {  	v18 =	vimm.f32 $0.0e+00;
	v17 =	vimm.f32 $0.0e+00;
	s23 =	sor.u32 $0x420, s20;
	v15 =	vadd.f32 v19, v15;
	v35 =	vld [tilespmem:s22+$0x100]  }
0xe3: {  	v9 =	vadd.f32 v9, v13;
	v34 =	vld [tilespmem:s23+$0x100];
	s23 =	sor.u32 $0x430, s20;
	v16 =	vimm.f32 $0.0e+00;
	v7 =	vadd.f32 v8, v7  }
0xe4: {  	s18 =	simm.s32 $0x200;
	v19 =	vimm.f32 $0.0e+00;
	v40 =	vld [tilespmem:s23+$0x100];
	s22 =	sor.u32 $0x440, s20;
	v8 =	vadd.f32 v10, v14;
	v10 =	vadd.f32 v12, v15  }
.LBB2_3:
0xe5: {  	p1 =	sne.s32 s18, $0x3200;
	v11 =	vadd.f32 v27, v11;
	v12 =	vadd.f32 v28, v23;
	v14 =	vld [tilespmem:s22+$0x100];
	s22 =	sor.u32 $0x450, s20  }
0xe6: {  	s23 =	sor.u32 $0x440, s21;
	v13 =	vadd.f32 v37, v41;
	v15 =	vadd.f32 v38, v42;
	v27 =	vld [tilespmem:s22+$0x100]  }
0xe7: {  	s22 =	sor.u32 $0x450, s21;
	v11 =	vadd.f32 v39, v11;
	v12 =	vadd.f32 v35, v12;
	v28 =	vld [tilespmem:s23+$0x100]  }
0xe8: {  	v13 =	vadd.f32 v33, v13;
	v15 =	vadd.f32 v36, v15;
	v33 =	vld [tilespmem:s22+$0x100];
	s22 =	sor.u32 $0x460, s21  }
0xe9: {  	s21 =	sor.u32 $0x470, s21;
	v11 =	vadd.f32 v34, v11;
	v23 =	vadd.f32 v40, v12;
	v34 =	vld [tilespmem:s22+$0x100]  }
0xea: {  	s22 =	sor.u32 $0x460, s20;
	v12 =	vadd.f32 v29, v13;
	v13 =	vadd.f32 v30, v15;
	v15 =	vld [tilespmem:s21+$0x100]  }
0xeb: {  	s20 =	sor.u32 $0x470, s20;
	v11 =	vadd.f32 v31, v11;
	v23 =	vadd.f32 v32, v23;
	v29 =	vld [tilespmem:s22+$0x100]  }
0xec: {  	v16 =	vadd.f32 v20, v16;
	v19 =	vadd.f32 v22, v19;
	s17 =	sadd.s32 $0x400, s17;
	s21 =	sor.u32 $0x460, s19;
	v20 =	vld [tilespmem:s20+$0x100]  }
0xed: {  	v18 =	vadd.f32 v21, v18;
	v17 =	vadd.f32 v24, v17;
	s22 =	sand.u32 $0x200, s18;
	s20 =	sand.u32 $0x7800, s17;
	v21 =	vld [tilespmem:s21+$0x100];
	s21 =	sor.u32 $0x470, s19  }
0xee: {  	v16 =	vadd.f32 v28, v16;
	s19 =	sor.u32 s22, s20;
	v19 =	vadd.f32 v33, v19;
	v22 =	vld [tilespmem:s21+$0x100]  }
0xef: {  	v18 =	vadd.f32 v34, v18;
	v32 =	vld [tilespmem:s19+$0x280];
	v15 =	vadd.f32 v15, v17  }
0xf0: {  	v14 =	vadd.f32 v14, v16;
	v17 =	vadd.f32 v27, v19;
	v33 =	vld [tilespmem:s19+$0x290]  }
0xf1: {  	v18 =	vadd.f32 v29, v18;
	v36 =	vld [tilespmem:s19+$0x2A0];
	v15 =	vadd.f32 v20, v15  }
0xf2: {  	v16 =	vadd.f32 v25, v14;
	v19 =	vadd.f32 v26, v17;
	v37 =	vld [tilespmem:s19+$0x2B0]  }
0xf3: {  	v18 =	vadd.f32 v21, v18;
	v14 =	vld [tilespmem:s19+$0x2C0];
	v17 =	vadd.f32 v22, v15  }
0xf4: {  	v35 =	vld [tilespmem:s19+$0x2D0]  }
0xf5: {  	v15 =	vld [tilespmem:s19+$0x2E0]  }
0xf6: {  	v34 =	vld [tilespmem:s19+$0x2F0]  }
0xf7: {  	v25 =	vld [tilespmem:s19+$0x200]  }
0xf8: {  	v26 =	vld [tilespmem:s19+$0x210]  }
0xf9: {  	v31 =	vld [tilespmem:s19+$0x220]  }
0xfa: {  	v38 =	vld [tilespmem:s19+$0x230]  }
0xfb: {  	v39 =	vld [tilespmem:s19+$0x240]  }
0xfc: {  	v40 =	vld [tilespmem:s19+$0x250]  }
0xfd: {  	v41 =	vld [tilespmem:s19+$0x260]  }
0xfe: {  	v42 =	vld [tilespmem:s19+$0x270]  }
0xff: {  	v24 =	vld [tilespmem:s19+$0x180]  }
0x100: {  	v29 =	vld [tilespmem:s19+$0x190]  }
0x101: {  	v30 =	vld [tilespmem:s19+$0x1A0]  }
0x102: {  	v43 =	vld [tilespmem:s19+$0x1B0]  }
0x103: {  	v44 =	vld [tilespmem:s19+$0x1C0]  }
0x104: {  	v45 =	vld [tilespmem:s19+$0x1D0]  }
0x105: {  	v46 =	vld [tilespmem:s19+$0x1E0]  }
0x106: {  	v47 =	vld [tilespmem:s19+$0x1F0]  }
0x107: {  	v21 =	vld [tilespmem:s19+$0x100]  }
0x108: {  	v22 =	vld [tilespmem:s19+$0x110]  }
0x109: {  	v48 =	vld [tilespmem:s19+$0x120]  }
0x10a: {  	p0 =	por !p0, !p0;
	s20 =	simm.s32 $0x1;
	v49 =	vld [tilespmem:s19+$0x130]  }
0x10b: {  	s20 =	simm.s32 @!p0 $0x0;
	v50 =	vld [tilespmem:s19+$0x140]  }
0x10c: {  	s20 =	sshll.u32 s20, $0x9;
	v51 =	vld [tilespmem:s19+$0x150]  }
0x10d: {  	s21 =	sadd.s32 s20, s17;
	v52 =	vld [tilespmem:s19+$0x160]  }
0x10e: {  	v53 =	vld [tilespmem:s19+$0x170];
	s19 =	sor.u32 $0x400, s21  }
0x10f: {  	v54 =	vld [tilespmem:s19+$0x100];
	s19 =	sor.u32 $0x410, s21  }
0x110: {  	v55 =	vld [tilespmem:s19+$0x100];
	s19 =	sor.u32 $0x420, s21  }
0x111: {  	v27 =	vld [tilespmem:s19+$0x100];
	s19 =	sor.u32 $0x430, s21  }
0x112: {  	v28 =	vld [tilespmem:s19+$0x100];
	s19 =	sor.u32 $0x440, s21  }
0x113: {  	v20 =	vld [tilespmem:s19+$0x100];
	s19 =	sor.u32 $0x450, s21  }
0x114: {  	s20 =	sor.u32 $0x460, s21;
	v3 =	vadd.f32 v21, v3;
	v5 =	vadd.f32 v22, v5;
	v22 =	vld [tilespmem:s19+$0x100]  }
0x115: {  	v4 =	vadd.f32 v48, v4;
	v6 =	vadd.f32 v49, v6;
	s19 =	sadd.s32 $0x180, s21;
	v21 =	vld [tilespmem:s20+$0x100];
	s20 =	sor.u32 $0x470, s21  }
0x116: {  	v3 =	vadd.f32 v24, v3;
	v5 =	vadd.f32 v29, v5;
	s22 =	sor.u32 $0x400, s19;
	v24 =	vld [tilespmem:s20+$0x100]  }
0x117: {  	v4 =	vadd.f32 v30, v4;
	v6 =	vadd.f32 v43, v6;
	s20 =	sor.u32 $0x410, s19;
	v29 =	vld [tilespmem:s22+$0x100]  }
0x118: {  	v3 =	vadd.f32 v25, v3;
	v5 =	vadd.f32 v26, v5;
	v30 =	vld [tilespmem:s20+$0x100];
	s20 =	sor.u32 $0x420, s19  }
0x119: {  	v4 =	vadd.f32 v31, v4;
	v6 =	vadd.f32 v38, v6;
	v31 =	vld [tilespmem:s20+$0x100];
	s20 =	sor.u32 $0x430, s19  }
0x11a: {  	v3 =	vadd.f32 v32, v3;
	v5 =	vadd.f32 v33, v5;
	s22 =	sor.u32 $0x440, s19;
	v32 =	vld [tilespmem:s20+$0x100]  }
0x11b: {  	v4 =	vadd.f32 v36, v4;
	v6 =	vadd.f32 v37, v6;
	s20 =	sadd.s32 $0x100, s21;
	v25 =	vld [tilespmem:s22+$0x100];
	s22 =	sor.u32 $0x450, s19  }
0x11c: {  	v7 =	vadd.f32 v50, v7;
	v9 =	vadd.f32 v51, v9;
	s23 =	sor.u32 $0x400, s20;
	v26 =	vld [tilespmem:s22+$0x100]  }
0x11d: {  	v8 =	vadd.f32 v52, v8;
	v10 =	vadd.f32 v53, v10;
	s21 =	sadd.s32 $0x80, s21;
	s22 =	sor.u32 $0x410, s20;
	v33 =	vld [tilespmem:s23+$0x100]  }
0x11e: {  	v7 =	vadd.f32 v44, v7;
	v9 =	vadd.f32 v45, v9;
	s23 =	sor.u32 $0x400, s21;
	v36 =	vld [tilespmem:s22+$0x100]  }
0x11f: {  	v8 =	vadd.f32 v46, v8;
	v10 =	vadd.f32 v47, v10;
	s22 =	sor.u32 $0x410, s21;
	v37 =	vld [tilespmem:s23+$0x100]  }
.Ltmp1:
0x120: {  	v7 =	vadd.f32 v39, v7;
	v9 =	vadd.f32 v40, v9;
	v38 =	vld [tilespmem:s22+$0x100];
	s22 =	sor.u32 $0x420, s21;
	(pc) =	sbr.rel @p1 .LBB2_3-.Ltmp1, $4  }
0x121: {  	v8 =	vadd.f32 v41, v8;
	v10 =	vadd.f32 v42, v10;
	v39 =	vld [tilespmem:s22+$0x100];
	s22 =	sor.u32 $0x430, s21  }
0x122: {  	v7 =	vadd.f32 v14, v7;
	v9 =	vadd.f32 v35, v9;
	s23 =	sor.u32 $0x420, s20;
	v35 =	vld [tilespmem:s22+$0x100]  }
0x123: {  	v8 =	vadd.f32 v15, v8;
	v10 =	vadd.f32 v34, v10;
	s22 =	sor.u32 $0x430, s20;
	v34 =	vld [tilespmem:s23+$0x100]  }
0x124: {  	s18 =	sadd.s32 $0x200, s18;
	v41 =	vadd.f32 v54, v12;
	v42 =	vadd.f32 v55, v13;
	v40 =	vld [tilespmem:s22+$0x100];
	s22 =	sor.u32 $0x440, s20  }
0x125: {  	v58 =	vld [tilespmem:s22+$0x100];
	s17 =	sor.u32 $0x450, s20  }
0x126: {  	s18 =	sor.u32 $0x440, s21;
	v57 =	vld [tilespmem:s17+$0x100]  }
0x127: {  	s22 =	sor.u32 $0x450, s21;
	v45 =	vld [tilespmem:s18+$0x100]  }
0x128: {  	s23 =	sor.u32 $0x460, s21;
	v46 =	vld [tilespmem:s22+$0x100]  }
0x129: {  	v47 =	vld [tilespmem:s23+$0x100];
	s18 =	sor.u32 $0x470, s21  }
0x12a: {  	s21 =	sor.u32 $0x460, s20;
	v48 =	vld [tilespmem:s18+$0x100]  }
0x12b: {  	s22 =	sor.u32 $0x470, s20;
	v49 =	vld [tilespmem:s21+$0x100]  }
0x12c: {  	s23 =	sor.u32 $0x460, s19;
	v50 =	vld [tilespmem:s22+$0x100]  }
0x12d: {  	s19 =	sor.u32 $0x470, s19;
	v51 =	vld [tilespmem:s23+$0x100]  }
0x12e: {  	s17 =	simm.s32 $0x0;
	v52 =	vld [tilespmem:s19+$0x100];
	_ =	swait.ge [sflag:s14], $0x6800  }
0x12f: {  	s20 =	sand.u32 $0x7800, s17;
	s21 =	sand.u32 $0x200, s17;
	[sflag:s14] =	ssyncset.done $0x0  }
0x130: {  	s19 =	sor.u32 s21, s20;
	[sflag:s14] =	ssyncadd.s32 $0xFFFF9800  }
0x131: {  	v53 =	vld [tilespmem:s19+$0x6900]  }
0x132: {  	v54 =	vld [tilespmem:s19+$0x6910]  }
0x133: {  	v55 =	vld [tilespmem:s19+$0x6920]  }
0x134: {  	v0 =	vld [tilespmem:s19+$0x6960]  }
0x135: {  	v56 =	vld [tilespmem:s19+$0x6930]  }
0x136: {  	v63 =	vld [tilespmem:s19+$0x6940]  }
0x137: {  	v62 =	vld [tilespmem:s19+$0x6950]  }
0x138: {  	v12 =	vld [tilespmem:s19+$0x6D40]  }
0x139: {  	[tilespmem:$0x1FF80] =	vst v0;
	v0 =	vld [tilespmem:s19+$0x6970]  }
0x13a: {  	s22 =	simm.s32 $0x6B00;
	s23 =	simm.s32 $0x3580;
	v15 =	vld [tilespmem:s19+$0x6D50]  }
0x13b: {  	s18 =	sand.u32 $0xF800, s22;
	s20 =	sand.u32 $0x380, s23;
	v13 =	vld [tilespmem:s19+$0x6D60]  }
0x13c: {  	s18 =	sor.u32 s20, s18;
	v14 =	vld [tilespmem:s19+$0x6D70]  }
0x13d: {  	v2 =	vld [tilespmem:s18+$0x110]  }
0x13e: {  	[tilespmem:$0x1FF90] =	vst v0;
	v0 =	vld [tilespmem:s19+$0x6D00]  }
0x13f: {  	v43 =	vld [tilespmem:s18+$0x120]  }
0x140: {  	v44 =	vld [tilespmem:s18+$0x130]  }
0x141: {  	v61 =	vld [tilespmem:s18+$0x140]  }
0x142: {  	v60 =	vld [tilespmem:s18+$0x150]  }
0x143: {  	[tilespmem:$0x1FFA0] =	vst v0;
	v0 =	vld [tilespmem:s19+$0x6D10]  }
0x144: {  	v11 =	vadd.f32 v27, v11;
	v23 =	vadd.f32 v28, v23;
	v59 =	vld [tilespmem:s18+$0x160]  }
0x145: {  	v27 =	vadd.f32 v37, v41;
	v28 =	vadd.f32 v38, v42;
	v38 =	vld [tilespmem:s18+$0x170]  }
0x146: {  	v35 =	vadd.f32 v35, v23;
	v23 =	vld [tilespmem:s18+$0x500]  }
0x147: {  	v33 =	vadd.f32 v33, v27;
	v27 =	vld [tilespmem:s18+$0x510]  }
0x148: {  	v11 =	vadd.f32 v39, v11;
	[tilespmem:$0x1FFB0] =	vst v0;
	v0 =	vld [tilespmem:s19+$0x6D20]  }
0x149: {  	v20 =	vadd.f32 v20, v16;
	v36 =	vadd.f32 v36, v28;
	v28 =	vld [tilespmem:s18+$0x520]  }
0x14a: {  	v11 =	vadd.f32 v34, v11;
	v39 =	vadd.f32 v29, v33;
	v29 =	vld [tilespmem:s18+$0x530]  }
0x14b: {  	v16 =	vld [tilespmem:s18+$0x550]  }
0x14c: {  	s21 =	simm.s32 $0x3500;
	s20 =	simm.s32 $0x6A00;
	v31 =	vadd.f32 v31, v11;
	v11 =	vld [tilespmem:s18+$0x540];
	v20 =	vadd.f32 v45, v20  }
0x14d: {  	[tilespmem:$0x1FFC0] =	vst v0;
	v0 =	vld [tilespmem:s19+$0x6D30];
	s19 =	sand.u32 $0xF800, s20;
	s20 =	sand.u32 $0x300, s21  }
0x14e: {  	v19 =	vadd.f32 v22, v19;
	s22 =	simm.s32 $0x6900;
	s23 =	simm.s32 $0x3480;
	v20 =	vadd.f32 v58, v20;
	v58 =	vld [tilespmem:$0x1FF80];
	s20 =	sor.u32 s20, s19  }
0x14f: {  	v18 =	vadd.f32 v21, v18;
	v17 =	vadd.f32 v24, v17;
	s23 =	sand.u32 $0x280, s23;
	s21 =	sand.u32 $0xF800, s22;
	v21 =	vld [tilespmem:s20+$0x100]  }
0x150: {  	v19 =	vadd.f32 v46, v19;
	s21 =	sor.u32 s23, s21;
	v22 =	vld [tilespmem:s20+$0x110]  }
0x151: {  	v18 =	vadd.f32 v47, v18;
	v17 =	vadd.f32 v48, v17;
	v24 =	vld [tilespmem:s21+$0x100]  }
0x152: {  	v47 =	vadd.f32 v57, v19;
	v19 =	vadd.f32 v25, v20;
	v25 =	vld [tilespmem:s21+$0x130]  }
0x153: {  	v48 =	vld [tilespmem:s21+$0x110]  }
0x154: {  	v17 =	vadd.f32 v50, v17;
	v5 =	vadd.f32 v54, v5;
	v54 =	vld [tilespmem:s20+$0x130]  }
0x155: {  	v3 =	vadd.f32 v53, v3;
	v6 =	vadd.f32 v56, v6;
	v50 =	vld [tilespmem:s21+$0x120]  }
0x156: {  	v20 =	vadd.f32 v26, v47;
	[tilespmem:$0x1FFD0] =	vst v0;
	v0 =	vld [tilespmem:s18+$0x100]  }
0x157: {  	v26 =	vld [tilespmem:s20+$0x120];
	v3 =	vadd.f32 v24, v3;
	v6 =	vadd.f32 v25, v6  }
0x158: {  	v4 =	vadd.f32 v55, v4;
	v57 =	vld [tilespmem:s20+$0x140];
	v5 =	vadd.f32 v48, v5  }
0x159: {  	v24 =	vld [tilespmem:s20+$0x150];
	v3 =	vadd.f32 v21, v3;
	v6 =	vadd.f32 v54, v6  }
0x15a: {  	v4 =	vadd.f32 v50, v4;
	v25 =	vld [tilespmem:s21+$0x140];
	v5 =	vadd.f32 v22, v5  }
0x15b: {  	v22 =	vld [tilespmem:s21+$0x150];
	v21 =	vadd.f32 v0, v3;
	v3 =	vadd.f32 v44, v6  }
0x15c: {  	v6 =	vadd.f32 v63, v7;
	v7 =	vadd.f32 v62, v9;
	v62 =	vld [tilespmem:$0x1FF90]  }
0x15d: {  	v4 =	vadd.f32 v26, v4;
	v26 =	vld [tilespmem:s21+$0x160]  }
0x15e: {  	v0 =	vld [tilespmem:s21+$0x170]  }
0x15f: {  	v5 =	vadd.f32 v2, v5;
	v2 =	vld [tilespmem:s20+$0x160]  }
0x160: {  	v8 =	vadd.f32 v58, v8;
	v9 =	vld [tilespmem:s20+$0x170]  }
0x161: {  	v42 =	vadd.f32 v40, v35;
	v33 =	vld [tilespmem:s20+$0x500];
	v10 =	vadd.f32 v62, v10  }
0x162: {  	v34 =	vld [tilespmem:s20+$0x510];
	v7 =	vadd.f32 v22, v7;
	v8 =	vadd.f32 v26, v8  }
0x163: {  	v35 =	vld [tilespmem:s21+$0x520];
	v6 =	vadd.f32 v25, v6;
	v0 =	vadd.f32 v0, v10  }
0x164: {  	v63 =	vld [tilespmem:s21+$0x510];
	v7 =	vadd.f32 v24, v7;
	v2 =	vadd.f32 v2, v8  }
0x165: {  	v22 =	vld [tilespmem:$0x1FFC0];
	v6 =	vadd.f32 v57, v6;
	v0 =	vadd.f32 v9, v0  }
0x166: {  	v8 =	vadd.f32 v60, v7;
	v7 =	vadd.f32 v59, v2;
	v2 =	vld [tilespmem:$0x1FFB0]  }
0x167: {  	v9 =	vadd.f32 v61, v6;
	v6 =	vadd.f32 v38, v0;
	v0 =	vld [tilespmem:$0x1FFA0]  }
0x168: {  	v18 =	vadd.f32 v49, v18;
	v24 =	vld [tilespmem:$0x1FFD0]  }
0x169: {  	v30 =	vadd.f32 v30, v36;
	v25 =	vld [tilespmem:s21+$0x500]  }
0x16a: {  	v32 =	vadd.f32 v32, v42;
	v18 =	vadd.f32 v51, v18;
	v37 =	vld [tilespmem:s21+$0x530]  }
0x16b: {  	v17 =	vadd.f32 v52, v17;
	v36 =	vld [tilespmem:s20+$0x520];
	v4 =	vadd.f32 v43, v4  }
0x16c: {  	v10 =	vld [tilespmem:s20+$0x530];
	v2 =	vadd.f32 v2, v30;
	v0 =	vadd.f32 v0, v39  }
0x16d: {  	v26 =	vld [tilespmem:s20+$0x540];
	v22 =	vadd.f32 v22, v31;
	v24 =	vadd.f32 v24, v32  }
0x16e: {  	s19 =	simm.s32 $0x200;
	v30 =	vld [tilespmem:s20+$0x550];
	v31 =	vadd.f32 v63, v2;
	v25 =	vadd.f32 v25, v0  }
.LBB2_5:
0x16f: {  	p0 =	sne.s32 s19, $0x3000;
	v0 =	vadd.f32 v35, v22;
	v2 =	vadd.f32 v37, v24;
	v32 =	vld [tilespmem:s21+$0x540]  }
0x170: {  	v22 =	vadd.f32 v33, v25;
	v24 =	vadd.f32 v34, v31;
	v31 =	vld [tilespmem:s21+$0x550]  }
0x171: {  	v0 =	vadd.f32 v36, v0;
	v2 =	vadd.f32 v10, v2;
	v33 =	vld [tilespmem:s21+$0x560]  }
0x172: {  	v10 =	vadd.f32 v23, v22;
	v22 =	vadd.f32 v27, v24;
	v23 =	vld [tilespmem:s21+$0x570]  }
0x173: {  	v24 =	vadd.f32 v28, v0;
	v25 =	vadd.f32 v29, v2;
	v0 =	vld [tilespmem:s20+$0x560]  }
0x174: {  	s17 =	sadd.s32 $0x400, s17;
	v2 =	vadd.f32 v12, v19;
	v12 =	vadd.f32 v15, v20;
	v15 =	vld [tilespmem:s20+$0x570]  }
0x175: {  	v13 =	vadd.f32 v13, v18;
	v14 =	vadd.f32 v14, v17;
	s21 =	sand.u32 $0x200, s19;
	s20 =	sand.u32 $0x7800, s17;
	v18 =	vld [tilespmem:s18+$0x560]  }
0x176: {  	s20 =	sor.u32 s21, s20;
	v2 =	vadd.f32 v32, v2;
	v12 =	vadd.f32 v31, v12;
	v17 =	vld [tilespmem:s18+$0x570]  }
0x177: {  	v13 =	vadd.f32 v33, v13;
	v34 =	vld [tilespmem:s20+$0x6900];
	v14 =	vadd.f32 v23, v14  }
0x178: {  	v2 =	vadd.f32 v26, v2;
	v12 =	vadd.f32 v30, v12;
	v33 =	vld [tilespmem:s20+$0x6910]  }
0x179: {  	v0 =	vadd.f32 v0, v13;
	v35 =	vld [tilespmem:s20+$0x6920];
	v13 =	vadd.f32 v15, v14  }
0x17a: {  	v19 =	vadd.f32 v11, v2;
	v20 =	vadd.f32 v16, v12;
	v36 =	vld [tilespmem:s20+$0x6930]  }
0x17b: {  	v18 =	vadd.f32 v18, v0;
	v2 =	vld [tilespmem:s20+$0x6940];
	v17 =	vadd.f32 v17, v13  }
0x17c: {  	v0 =	vld [tilespmem:s20+$0x6950]  }
0x17d: {  	v37 =	vld [tilespmem:s20+$0x6960]  }
0x17e: {  	v38 =	vld [tilespmem:s20+$0x6970]  }
0x17f: {  	v26 =	vld [tilespmem:s20+$0x6D00]  }
0x180: {  	v31 =	vld [tilespmem:s20+$0x6D10]  }
0x181: {  	v30 =	vld [tilespmem:s20+$0x6D20]  }
0x182: {  	v32 =	vld [tilespmem:s20+$0x6D30]  }
0x183: {  	v12 =	vld [tilespmem:s20+$0x6D40]  }
0x184: {  	s21 =	sadd.s32 $0x3580, s19;
	s18 =	sadd.s32 $0x6B00, s17;
	v15 =	vld [tilespmem:s20+$0x6D50]  }
0x185: {  	s21 =	sand.u32 $0x380, s21;
	s18 =	sand.u32 $0xF800, s18;
	v13 =	vld [tilespmem:s20+$0x6D60]  }
0x186: {  	s18 =	sor.u32 s21, s18;
	v14 =	vld [tilespmem:s20+$0x6D70]  }
0x187: {  	v39 =	vld [tilespmem:s18+$0x100]  }
0x188: {  	v40 =	vld [tilespmem:s18+$0x110]  }
0x189: {  	v41 =	vld [tilespmem:s18+$0x120]  }
0x18a: {  	v42 =	vld [tilespmem:s18+$0x130]  }
0x18b: {  	v43 =	vld [tilespmem:s18+$0x140]  }
0x18c: {  	v44 =	vld [tilespmem:s18+$0x150]  }
0x18d: {  	v45 =	vld [tilespmem:s18+$0x160]  }
0x18e: {  	v46 =	vld [tilespmem:s18+$0x170]  }
0x18f: {  	v23 =	vld [tilespmem:s18+$0x500]  }
0x190: {  	v27 =	vld [tilespmem:s18+$0x510]  }
0x191: {  	v28 =	vld [tilespmem:s18+$0x520]  }
0x192: {  	s21 =	sadd.s32 $0x3500, s19;
	s20 =	sadd.s32 $0x6A00, s17;
	v29 =	vld [tilespmem:s18+$0x530]  }
0x193: {  	s21 =	sand.u32 $0x300, s21;
	s20 =	sand.u32 $0xF800, s20;
	v11 =	vld [tilespmem:s18+$0x540]  }
0x194: {  	s23 =	sadd.s32 $0x3480, s19;
	s22 =	sadd.s32 $0x6900, s17;
	s20 =	sor.u32 s21, s20;
	v16 =	vld [tilespmem:s18+$0x550]  }
0x195: {  	s21 =	sand.u32 $0xF800, s22;
	s22 =	sand.u32 $0x280, s23;
	v47 =	vld [tilespmem:s20+$0x100]  }
0x196: {  	s21 =	sor.u32 s22, s21;
	v48 =	vld [tilespmem:s20+$0x110]  }
0x197: {  	v49 =	vld [tilespmem:s21+$0x100]  }
0x198: {  	v50 =	vld [tilespmem:s21+$0x110]  }
0x199: {  	v51 =	vld [tilespmem:s21+$0x120]  }
0x19a: {  	v52 =	vld [tilespmem:s21+$0x130]  }
0x19b: {  	v53 =	vld [tilespmem:s20+$0x120]  }
0x19c: {  	v21 =	vadd.f32 v34, v21;
	v5 =	vadd.f32 v33, v5;
	v33 =	vld [tilespmem:s20+$0x130]  }
0x19d: {  	v4 =	vadd.f32 v35, v4;
	v3 =	vadd.f32 v36, v3;
	v35 =	vld [tilespmem:s20+$0x140]  }
0x19e: {  	v21 =	vadd.f32 v49, v21;
	v5 =	vadd.f32 v50, v5;
	v36 =	vld [tilespmem:s20+$0x150]  }
0x19f: {  	v4 =	vadd.f32 v51, v4;
	v3 =	vadd.f32 v52, v3;
	v34 =	vld [tilespmem:s21+$0x140]  }
0x1a0: {  	v21 =	vadd.f32 v47, v21;
	v5 =	vadd.f32 v48, v5;
	v47 =	vld [tilespmem:s21+$0x150]  }
0x1a1: {  	v4 =	vadd.f32 v53, v4;
	v3 =	vadd.f32 v33, v3;
	v48 =	vld [tilespmem:s21+$0x160]  }
0x1a2: {  	v21 =	vadd.f32 v39, v21;
	v5 =	vadd.f32 v40, v5;
	v39 =	vld [tilespmem:s21+$0x170]  }
0x1a3: {  	v4 =	vadd.f32 v41, v4;
	v3 =	vadd.f32 v42, v3;
	v40 =	vld [tilespmem:s20+$0x160]  }
0x1a4: {  	v2 =	vadd.f32 v2, v9;
	v0 =	vadd.f32 v0, v8;
	v8 =	vld [tilespmem:s20+$0x170]  }
0x1a5: {  	v7 =	vadd.f32 v37, v7;
	v6 =	vadd.f32 v38, v6;
	v33 =	vld [tilespmem:s20+$0x500]  }
0x1a6: {  	v2 =	vadd.f32 v34, v2;
	v0 =	vadd.f32 v47, v0;
	v34 =	vld [tilespmem:s20+$0x510]  }
0x1a7: {  	v7 =	vadd.f32 v48, v7;
	v6 =	vadd.f32 v39, v6;
	v38 =	vld [tilespmem:s21+$0x500]  }
0x1a8: {  	v2 =	vadd.f32 v35, v2;
	v0 =	vadd.f32 v36, v0;
	v39 =	vld [tilespmem:s21+$0x510]  }
0x1a9: {  	v7 =	vadd.f32 v40, v7;
	v6 =	vadd.f32 v8, v6;
	v35 =	vld [tilespmem:s21+$0x520]  }
.Ltmp2:
0x1aa: {  	v9 =	vadd.f32 v43, v2;
	v8 =	vadd.f32 v44, v0;
	v37 =	vld [tilespmem:s21+$0x530];
	(pc) =	sbr.rel @p0 .LBB2_5-.Ltmp2, $4  }
0x1ab: {  	v7 =	vadd.f32 v45, v7;
	v6 =	vadd.f32 v46, v6;
	v36 =	vld [tilespmem:s20+$0x520]  }
0x1ac: {  	v2 =	vadd.f32 v31, v22;
	v0 =	vadd.f32 v26, v10;
	v10 =	vld [tilespmem:s20+$0x530]  }
0x1ad: {  	v22 =	vadd.f32 v30, v24;
	v24 =	vadd.f32 v32, v25;
	v26 =	vld [tilespmem:s20+$0x540]  }
0x1ae: {  	s19 =	sadd.s32 $0x200, s19;
	v25 =	vadd.f32 v38, v0;
	v31 =	vadd.f32 v39, v2;
	v30 =	vld [tilespmem:s20+$0x550]  }
0x1af: {  	v0 =	vld [tilespmem:s21+$0x540]  }
0x1b0: {  	v2 =	vld [tilespmem:s21+$0x550]  }
0x1b1: {  	v32 =	vld [tilespmem:s21+$0x560]  }
0x1b2: {  	v38 =	vld [tilespmem:s21+$0x570]  }
0x1b3: {  	v39 =	vld [tilespmem:s20+$0x560]  }
0x1b4: {  	v40 =	vld [tilespmem:s20+$0x570]  }
0x1b5: {  	v41 =	vld [tilespmem:s18+$0x560]  }
0x1b6: {  	v22 =	vadd.f32 v35, v22;
	v35 =	vld [tilespmem:s18+$0x570]  }
0x1b7: {  	v24 =	vadd.f32 v37, v24;
	v59 =	vld [tilespmem:$0xCB00]  }
0x1b8: {  	v60 =	vld [tilespmem:$0xCB10];
	v12 =	vadd.f32 v12, v19;
	v15 =	vadd.f32 v15, v20  }
0x1b9: {  	v62 =	vld [tilespmem:$0xCB20];
	v13 =	vadd.f32 v13, v18;
	v14 =	vadd.f32 v14, v17  }
0x1ba: {  	v63 =	vld [tilespmem:$0xCB30];
	v25 =	vadd.f32 v33, v25;
	v31 =	vadd.f32 v34, v31  }
0x1bb: {  	v37 =	vld [tilespmem:$0xCB50];
	v22 =	vadd.f32 v36, v22;
	v10 =	vadd.f32 v10, v24  }
0x1bc: {  	v42 =	vld [tilespmem:$0xCB60];
	v23 =	vadd.f32 v23, v25;
	v61 =	vadd.f32 v27, v31  }
0x1bd: {  	v44 =	vld [tilespmem:$0xCF00];
	v22 =	vadd.f32 v28, v22;
	v36 =	vadd.f32 v59, v21  }
0x1be: {  	v43 =	vld [tilespmem:$0xCB70];
	v10 =	vadd.f32 v29, v10;
	v5 =	vadd.f32 v60, v5  }
0x1bf: {  	v34 =	vld [tilespmem:$0xCB40];
	v0 =	vadd.f32 v0, v12;
	v4 =	vadd.f32 v62, v4;
	v18 =	vmul.f32 $4.878048790e-03, v36  }
0x1c0: {  	v45 =	vld [tilespmem:$0xCF10];
	v2 =	vadd.f32 v2, v15;
	v3 =	vadd.f32 v63, v3;
	v5 =	vmul.f32 $4.878048790e-03, v5  }
0x1c1: {  	v46 =	vld [tilespmem:$0xCF20];
	v13 =	vadd.f32 v32, v13;
	v47 =	vadd.f32 v42, v7;
	v4 =	vmul.f32 $4.878048790e-03, v4;
	[tilespmem:$0xD100] =	vst v18  }
0x1c2: {  	v14 =	vadd.f32 v38, v14;
	v52 =	vadd.f32 v44, v23;
	v3 =	vmul.f32 $4.878048790e-03, v3;
	[tilespmem:$0xD110] =	vst v5  }
0x1c3: {  	v50 =	vld [tilespmem:$0xCF40];
	v8 =	vadd.f32 v37, v8;
	v6 =	vadd.f32 v43, v6;
	v54 =	vmul.f32 $4.878048790e-03, v47;
	[tilespmem:$0xD120] =	vst v4  }
0x1c4: {  	v53 =	vld [tilespmem:$0xCF50];
	v9 =	vadd.f32 v34, v9;
	v0 =	vadd.f32 v26, v0;
	v60 =	vmul.f32 $4.878048790e-03, v52;
	[tilespmem:$0xD130] =	vst v3  }
0x1c5: {  	v48 =	vld [tilespmem:$0xCF30];
	v56 =	vadd.f32 v45, v61;
	v2 =	vadd.f32 v30, v2;
	v3 =	vmul.f32 $4.878048790e-03, v8;
	[tilespmem:$0xD160] =	vst v54  }
0x1c6: {  	v57 =	vld [tilespmem:$0xCF60];
	v58 =	vadd.f32 v46, v22;
	v49 =	vmul.f32 $4.878048790e-03, v9;
	v0 =	vadd.f32 v11, v0;
	[tilespmem:$0xD180] =	vst v60  }
0x1c7: {  	v59 =	vld [tilespmem:$0xCF70];
	v51 =	vadd.f32 v39, v13;
	v2 =	vadd.f32 v16, v2;
	[tilespmem:$0xD150] =	vst v3;
	v3 =	vmul.f32 $4.878048790e-03, v6  }
0x1c8: {  	v55 =	vadd.f32 v40, v14;
	v61 =	vmul.f32 $4.878048790e-03, v58;
	[tilespmem:$0xD140] =	vst v49;
	v0 =	vadd.f32 v50, v0  }
0x1c9: {  	v8 =	vadd.f32 v41, v51;
	v2 =	vadd.f32 v53, v2;
	[tilespmem:$0xD170] =	vst v3;
	v3 =	vmul.f32 $4.878048790e-03, v56  }
0x1ca: {  	v7 =	vadd.f32 v48, v10;
	v5 =	vadd.f32 v35, v55;
	[tilespmem:$0xD1A0] =	vst v61;
	v0 =	vmul.f32 $4.878048790e-03, v0  }
0x1cb: {  	v62 =	vadd.f32 v57, v8;
	v2 =	vmul.f32 $4.878048790e-03, v2;
	[tilespmem:$0xD190] =	vst v3  }
0x1cc: {  	v63 =	vadd.f32 v59, v5;
	v3 =	vmul.f32 $4.878048790e-03, v7;
	[tilespmem:$0xD1C0] =	vst v0  }
0x1cd: {  	v0 =	vmul.f32 $4.878048790e-03, v62;
	[tilespmem:$0xD1D0] =	vst v2  }
0x1ce: {  	s3 =	sadd.s32 $0x1, s3;
	v2 =	vmul.f32 $4.878048790e-03, v63;
	[tilespmem:$0xD1B0] =	vst v3  }
0x1cf: {  	p0 =	sne.s32 s3, s7;
	[tilespmem:$0xD1E0] =	vst v0  }
.Ltmp3:
0x1d0: {  	[tilespmem:$0xD1F0] =	vst v2;
	(pc) =	sbr.rel @p0 .LBB2_2-.Ltmp3, $4  }
0x1d1: {  	[hbm4b:s5+s9] =	stream.strided.scatter [tilespmem:s16], [sflag:$0x3], $0x100, s15, s9, $0x38;
	[tilespmem:$0xD200] =	vst v63  }
0x1d2: {  	_ =	swait.ge [sflag:s8], $0x100  }
0x1d3: {  	[sflag:s8] =	ssyncset.done $0x0  }
0x1d4: {  	[sflag:s8] =	ssyncadd.s32 $0xFFFFFF00  }
.LBB2_7:
0x1d5: {  	_ =	sfence.sel $0x180000  }
0x1d6: {  	[bflag:$0x0] =	sbarrier.arrive $0xFFFF  }
0x1d7: {  	_ =	strace $0x90000047  }
0x1d8: {  	s0 =	stileid.u32;
	[bflag:$0x2] =	sbarrier.arrive $0xFFFF  }
0x1d9: {  	p0 =	sne.s32 s0, $0x0;
	s0 =	rddreg [dreg:$0x3]  }
0x1da: {  	s0 =	sadd.s32 @!p0 $0x100000, s0  }
0x1db: {  	[sflag:s0] =	ssyncadd.tile.s32 @!p0 $0x1;
	_ =	shalt  }
.Lfunc_end2:
_tile_overlayer_lowered:
.L_overlay_start_2:
0x1dc: {  	(tag) =	ssettag $0x2  }
0x1dd: {  	s0 =	rddreg [dreg:$0x0];
	s2 =	stileid.u32  }
0x1de: {  	s1 =	rddreg [dreg:$0x1];
	p0 =	sne.s32 s2, $0x0  }
0x1df: {  	s3 =	rddreg [dreg:$0x2];
	[bflag:$0x3] =	sbarrier.arrive $0xFFFF;
	s2 =	simm.s32 @!p0 $0x1C03  }
0x1e0: {  	[timem:s3], [sflag:s2] =	dma.local @!p0 [hbm:s0], s1  }
0x1e1: {  	s0 =	simm.s32 @!p0 $0x3  }
0x1e2: {  	_ =	swait.ge @!p0 [sflag:s0], s1  }
0x1e3: {  	s1 =	ssub.s32 @!p0 $0x0, s1;
	[sflag:s0] =	ssyncset.done @!p0 $0x0  }
0x1e4: {  	[sflag:s0] =	ssyncadd.s32 @!p0 s1  }
0x1e5: {  	[bflag:$0x3] =	sbarrier.arrive $0xFFFF  }
0x1e6: {  	_ =	shalt  }

</sc_bundles>
